<compile_context>
chip_gen: v7x
topology: tpu7x:2x2x1
jax: 0.10.2.dev20260603
libtpu: 0.0.44.dev20260713+nightly
codegen_flags: <defaults>
</compile_context>

<pallas_src>
import numpy as np
import jax
import jax.numpy as jnp
from jax import lax
from jax.experimental import pallas as pl
from jax.experimental.pallas import tpu as pltpu

_GRID = 50
_STRIDE = 16
_A = 9
_PRE = 1000
_POST = 1000
_NMS_THRESH = 0.7
_MIN_SIZE = 1e-3
_BBOX_CLIP = float(np.log(1000.0 / 16.0))

_TH_HI = float(np.float32(_NMS_THRESH))
_TH_LO = float(np.float32(np.float64(_NMS_THRESH) - np.float64(np.float32(_NMS_THRESH))))
_EPS_HI = float(np.float32(1e-12))
_EPS_LO = float(np.float32(np.float64(1e-12) - np.float64(np.float32(1e-12))))

_HW = _GRID + 2
_ROWS = _HW * _HW
_RPAD = 2816


def _mk_anchors():
    scales = jnp.array([128.0, 256.0, 512.0], dtype=jnp.float32)
    ratios = jnp.array([0.5, 1.0, 2.0], dtype=jnp.float32)
    h_r = jnp.sqrt(ratios)
    w_r = 1.0 / h_r
    ws = (w_r[:, None] * scales[None, :]).reshape(-1)
    hs = (h_r[:, None] * scales[None, :]).reshape(-1)
    base = jnp.round(jnp.stack([-ws, -hs, ws, hs], axis=1) / 2.0)
    s = jnp.arange(_GRID, dtype=jnp.float32) * _STRIDE
    gy, gx = jnp.meshgrid(s, s, indexing='ij')
    gx = gx.reshape(-1)
    gy = gy.reshape(-1)
    shifts = jnp.stack([gx, gy, gx, gy], axis=1)
    return (shifts[:, None, :] + base[None, :, :]).reshape(-1, 4)


def _decode_batched(deltas, anchors):
    widths = anchors[:, 2] - anchors[:, 0]
    heights = anchors[:, 3] - anchors[:, 1]
    ctr_x = anchors[:, 0] + 0.5 * widths
    ctr_y = anchors[:, 1] + 0.5 * heights
    dx = deltas[..., 0]
    dy = deltas[..., 1]
    dw = jnp.minimum(deltas[..., 2], _BBOX_CLIP)
    dh = jnp.minimum(deltas[..., 3], _BBOX_CLIP)
    pcx = dx * widths + ctr_x
    pcy = dy * heights + ctr_y
    pw = jnp.exp(dw) * widths
    ph = jnp.exp(dh) * heights
    return jnp.stack(
        [pcx - 0.5 * pw, pcy - 0.5 * ph, pcx + 0.5 * pw, pcy + 0.5 * ph],
        axis=-1)



def _two_sum(a, b):
    s = a + b
    v = s - a
    return s, (a - (s - v)) + (b - v)


def _two_diff(a, b):
    s = a - b
    v = s - a
    return s, (a - (s - v)) - (b + v)


def _quick_two_sum(a, b):
    s = a + b
    return s, b - (s - a)


def _split32(a):
    t = jnp.float32(4097.0) * a
    hi = t - (t - a)
    return hi, a - hi


def _two_prod(a, b):
    p = a * b
    ah, al = _split32(a)
    bh, bl = _split32(b)
    return p, ((ah * bh - p) + ah * bl + al * bh) + al * bl


def _df_add(x, y):
    s, e = _two_sum(x[0], y[0])
    return _quick_two_sum(s, e + (x[1] + y[1]))


def _df_neg(x):
    return (-x[0], -x[1])


def _df_mul(x, y):
    p, e = _two_prod(x[0], y[0])
    return _quick_two_sum(p, e + (x[0] * y[1] + x[1] * y[0]))


def _df_gt(x, y):
    d = _df_add(x, _df_neg(y))
    return d[0] > 0



def _head_kernel(x_ref, wm_ref, cb_ref, wc_ref, cbb_ref, wb_ref, bbb_ref,
                 obj_ref, dl_ref):
    x = x_ref[0]
    acc = jnp.zeros((_ROWS, 256), jnp.float32)
    for k in range(9):
        dy, dx = divmod(k, 3)
        off = 53 + (dy - 1) * _HW + (dx - 1)
        xs = x[off:off + _ROWS, :]
        acc = acc + jnp.dot(xs, wm_ref[k], preferred_element_type=jnp.float32)
    t = jnp.maximum(acc + cb_ref[...], 0.0)
    obj_ref[0] = jnp.dot(t, wc_ref[...], preferred_element_type=jnp.float32) + cbb_ref[...]
    dl_ref[0] = jnp.dot(t, wb_ref[...], preferred_element_type=jnp.float32) + bbb_ref[...]



def _nms_kernel(x1v_ref, y1v_ref, x2v_ref, y2v_ref,
                x1s_ref, y1s_ref, x2s_ref, y2s_ref, ord_ref,
                act_ref, supp_ref):
    n = pl.program_id(0)
    x1 = x1v_ref[0]
    y1 = y1v_ref[0]
    x2 = x2v_ref[0]
    y2 = y2v_ref[0]
    ar = _df_mul(_two_diff(x2, x1), _two_diff(y2, y1))
    ar0, ar1 = ar
    th = (jnp.float32(_TH_HI), jnp.float32(_TH_LO))
    eps = (jnp.float32(_EPS_HI), jnp.float32(_EPS_LO))
    idx = (lax.broadcasted_iota(jnp.int32, (8, 128), 0) * 128
           + lax.broadcasted_iota(jnp.int32, (8, 128), 1))
    supp_ref[...] = jnp.zeros((8, 128), jnp.float32)
    act_ref[0] = jnp.zeros((8, 128), jnp.float32)

    def body(t, c):
        i = ord_ref[n, t]
        xi1 = x1s_ref[n, i]
        yi1 = y1s_ref[n, i]
        xi2 = x2s_ref[n, i]
        yi2 = y2s_ref[n, i]
        supp = supp_ref[...]
        onehot = idx == i
        s_i = jnp.sum(jnp.where(onehot, supp, 0.0))
        active = s_i == 0.0
        xx1 = jnp.maximum(xi1, x1)
        yy1 = jnp.maximum(yi1, y1)
        xx2 = jnp.minimum(xi2, x2)
        yy2 = jnp.minimum(yi2, y2)
        w = _two_diff(xx2, xx1)
        h = _two_diff(yy2, yy1)
        w = (jnp.where(w[0] > 0, w[0], 0.0), jnp.where(w[0] > 0, w[1], 0.0))
        h = (jnp.where(h[0] > 0, h[0], 0.0), jnp.where(h[0] > 0, h[1], 0.0))
        inter = _df_mul(w, h)
        a0 = jnp.sum(jnp.where(onehot, ar0, 0.0))
        a1 = jnp.sum(jnp.where(onehot, ar1, 0.0))
        denom = _df_add(_df_add(_df_add((a0, a1), ar), _df_neg(inter)), eps)
        over = _df_gt(inter, _df_mul(denom, th))
        overf = jnp.where(over, 1.0, 0.0).astype(jnp.float32)
        supp_ref[...] = jnp.where(active, jnp.maximum(supp, overf), supp)
        af = jnp.where(active, jnp.float32(1.0), jnp.float32(0.0))
        act_ref[0] = jnp.where(idx == t, af, act_ref[0])
        return c

    lax.fori_loop(0, _PRE, body, 0)


def kernel(images, features, conv_w, conv_b, cls_w, cls_b, bbox_w, bbox_b):
    N = features.shape[0]
    img_h = float(images.shape[-2])
    img_w = float(images.shape[-1])

    xp = jnp.pad(features, ((0, 0), (0, 0), (1, 1), (1, 1)))
    x = xp.transpose(0, 2, 3, 1).reshape(N, _ROWS, 256)
    x = jnp.pad(x, ((0, 0), (53, _RPAD - _ROWS - 53), (0, 0)))
    wm = conv_w.transpose(2, 3, 1, 0).reshape(9, 256, 256)
    cb = conv_b.reshape(1, 256)
    wc = jnp.zeros((256, 128), jnp.float32).at[:, :_A].set(cls_w[:, :, 0, 0].T)
    cbb = jnp.zeros((1, 128), jnp.float32).at[0, :_A].set(cls_b)
    wb = jnp.zeros((256, 128), jnp.float32).at[:, :4 * _A].set(bbox_w[:, :, 0, 0].T)
    bbb = jnp.zeros((1, 128), jnp.float32).at[0, :4 * _A].set(bbox_b)

    obj_full, dl_full = pl.pallas_call(
        _head_kernel,
        grid=(N,),
        in_specs=[
            pl.BlockSpec((1, _RPAD, 256), lambda n: (n, 0, 0)),
            pl.BlockSpec((9, 256, 256), lambda n: (0, 0, 0)),
            pl.BlockSpec((1, 256), lambda n: (0, 0)),
            pl.BlockSpec((256, 128), lambda n: (0, 0)),
            pl.BlockSpec((1, 128), lambda n: (0, 0)),
            pl.BlockSpec((256, 128), lambda n: (0, 0)),
            pl.BlockSpec((1, 128), lambda n: (0, 0)),
        ],
        out_specs=[
            pl.BlockSpec((1, _ROWS, 128), lambda n: (n, 0, 0)),
            pl.BlockSpec((1, _ROWS, 128), lambda n: (n, 0, 0)),
        ],
        out_shape=[
            jax.ShapeDtypeStruct((N, _ROWS, 128), jnp.float32),
            jax.ShapeDtypeStruct((N, _ROWS, 128), jnp.float32),
        ],
    )(x, wm, cb, wc, cbb, wb, bbb)

    obj = obj_full.reshape(N, _HW, _HW, 128)[:, 1:51, 1:51, :_A].reshape(N, -1)
    dl = dl_full.reshape(N, _HW, _HW, 128)[:, 1:51, 1:51, :4 * _A].reshape(N, -1, 4)

    anchors = _mk_anchors()
    props = _decode_batched(dl, anchors)
    topv, topi = lax.top_k(obj, _PRE)
    boxes = jnp.take_along_axis(props, topi[..., None], axis=1)
    bx1 = jnp.clip(boxes[..., 0], 0.0, img_w)
    by1 = jnp.clip(boxes[..., 1], 0.0, img_h)
    bx2 = jnp.clip(boxes[..., 2], 0.0, img_w)
    by2 = jnp.clip(boxes[..., 3], 0.0, img_h)
    boxes = jnp.stack([bx1, by1, bx2, by2], axis=-1)
    ws = boxes[..., 2] - boxes[..., 0]
    hs = boxes[..., 3] - boxes[..., 1]
    valid = (ws >= _MIN_SIZE) & (hs >= _MIN_SIZE)
    order = jnp.argsort(jnp.logical_not(valid).astype(jnp.int32),
                        axis=1, stable=True).astype(jnp.int32)

    def pad_vec(a):
        return jnp.pad(a, ((0, 0), (0, 1024 - _PRE)))

    x1p = pad_vec(boxes[..., 0])
    y1p = pad_vec(boxes[..., 1])
    x2p = pad_vec(boxes[..., 2])
    y2p = pad_vec(boxes[..., 3])
    ordp = pad_vec(order)

    act = pl.pallas_call(
        _nms_kernel,
        grid=(N,),
        in_specs=[
            pl.BlockSpec((1, 8, 128), lambda n: (n, 0, 0)),
            pl.BlockSpec((1, 8, 128), lambda n: (n, 0, 0)),
            pl.BlockSpec((1, 8, 128), lambda n: (n, 0, 0)),
            pl.BlockSpec((1, 8, 128), lambda n: (n, 0, 0)),
            pl.BlockSpec(memory_space=pltpu.SMEM),
            pl.BlockSpec(memory_space=pltpu.SMEM),
            pl.BlockSpec(memory_space=pltpu.SMEM),
            pl.BlockSpec(memory_space=pltpu.SMEM),
            pl.BlockSpec(memory_space=pltpu.SMEM),
        ],
        out_specs=pl.BlockSpec((1, 8, 128), lambda n: (n, 0, 0)),
        out_shape=jax.ShapeDtypeStruct((N, 8, 128), jnp.float32),
        scratch_shapes=[pltpu.VMEM((8, 128), jnp.float32)],
    )(x1p.reshape(N, 8, 128), y1p.reshape(N, 8, 128),
      x2p.reshape(N, 8, 128), y2p.reshape(N, 8, 128),
      x1p, y1p, x2p, y2p, ordp)

    active = act.reshape(N, 1024)[:, :_PRE] > 0.5
    perm = jnp.argsort(jnp.logical_not(active).astype(jnp.int32),
                       axis=1, stable=True)
    keep = jnp.take_along_axis(order, perm, axis=1)
    count = jnp.sum(active.astype(jnp.int32), axis=1)
    pos = jnp.arange(_POST, dtype=jnp.int32)
    mask = pos[None, :] < count[:, None]
    sel = jnp.where(mask, keep, 0)
    kb = jnp.where(mask[..., None],
                   jnp.take_along_axis(boxes, sel[..., None], axis=1),
                   jnp.float32(0.0))
    return kb

# --- scband reference (transcript-rebuilt; emitter-appended) ---
"""Pipeline reference for scband-region-proposal-network-10952166605182 (READ-ONLY COPY).

The authoritative reference and input builder live on the scoring server;
editing this copy changes nothing except your own understanding.
"""

import jax, jax.numpy as jnp
import numpy as np
from jax import lax

IMG = 800
GRID = 50
STRIDE = 16
A = 9
PRE_NMS = 1000
POST_NMS = 1000
NMS_THRESH = 0.7
MIN_SIZE = 1e-3
BBOX_XFORM_CLIP = float(np.log(1000.0 / 16.0))


def _make_anchors():
    scales = jnp.array([128.0, 256.0, 512.0], dtype=jnp.float32)
    ratios = jnp.array([0.5, 1.0, 2.0], dtype=jnp.float32)
    h_r = jnp.sqrt(ratios)
    w_r = 1.0 / h_r
    ws = (w_r[:, None] * scales[None, :]).reshape(-1)
    hs = (h_r[:, None] * scales[None, :]).reshape(-1)
    base = jnp.round(jnp.stack([-ws, -hs, ws, hs], axis=1) / 2.0)
    s = jnp.arange(GRID, dtype=jnp.float32) * STRIDE
    gy, gx = jnp.meshgrid(s, s, indexing='ij')
    gx = gx.reshape(-1)
    gy = gy.reshape(-1)
    shifts = jnp.stack([gx, gy, gx, gy], axis=1)
    return (shifts[:, None, :] + base[None, :, :]).reshape(-1, 4)


def _conv(x, w, b, pad):
    y = lax.conv_general_dilated(x, w, window_strides=(1, 1), padding=[(pad, pad), (pad, pad)], dimension_numbers=('NCHW', 'OIHW', 'NCHW'))
    return y + b[None, :, None, None]


def _decode(deltas, anchors):
    widths = anchors[:, 2] - anchors[:, 0]
    heights = anchors[:, 3] - anchors[:, 1]
    ctr_x = anchors[:, 0] + 0.5 * widths
    ctr_y = anchors[:, 1] + 0.5 * heights
    dx = deltas[:, 0]
    dy = deltas[:, 1]
    dw = jnp.minimum(deltas[:, 2], BBOX_XFORM_CLIP)
    dh = jnp.minimum(deltas[:, 3], BBOX_XFORM_CLIP)
    pcx = dx * widths + ctr_x
    pcy = dy * heights + ctr_y
    pw = jnp.exp(dw) * widths
    ph = jnp.exp(dh) * heights
    return jnp.stack([pcx - 0.5 * pw, pcy - 0.5 * ph, pcx + 0.5 * pw, pcy + 0.5 * ph], axis=1)


def _clip_boxes(boxes, h, w):
    x1 = jnp.clip(boxes[:, 0], 0.0, float(w))
    y1 = jnp.clip(boxes[:, 1], 0.0, float(h))
    x2 = jnp.clip(boxes[:, 2], 0.0, float(w))
    y2 = jnp.clip(boxes[:, 3], 0.0, float(h))
    return jnp.stack([x1, y1, x2, y2], axis=1)


def _two_sum(a, b):
    s = a + b
    v = s - a
    return s, (a - (s - v)) + (b - v)


def _two_diff(a, b):
    s = a - b
    v = s - a
    return s, (a - (s - v)) - (b + v)


def _quick_two_sum(a, b):
    s = a + b
    return s, b - (s - a)


def _split32(a):
    t = jnp.float32(4097.0) * a
    hi = t - (t - a)
    return hi, a - hi


def _two_prod(a, b):
    p = a * b
    ah, al = _split32(a)
    bh, bl = _split32(b)
    return p, ((ah * bh - p) + ah * bl + al * bh) + al * bl


def _df_add(x, y):
    s, e = _two_sum(x[0], y[0])
    return _quick_two_sum(s, e + (x[1] + y[1]))


def _df_neg(x):
    return (-x[0], -x[1])


def _df_mul(x, y):
    p, e = _two_prod(x[0], y[0])
    return _quick_two_sum(p, e + (x[0] * y[1] + x[1] * y[0]))


def _df_gt(x, y):
    d = _df_add(x, _df_neg(y))
    return d[0] > 0


def _df_from_double(v):
    v64 = np.float64(v)
    hi = np.float32(v64)
    lo = np.float32(v64 - np.float64(hi))
    return (jnp.float32(hi), jnp.float32(lo))


def _nms_np(boxes, scores, thresh):
    n = boxes.shape[0]
    order = jnp.argsort(-scores, stable=True)
    x1 = boxes[:, 0]
    y1 = boxes[:, 1]
    x2 = boxes[:, 2]
    y2 = boxes[:, 3]
    areas = _df_mul(_two_diff(x2, x1), _two_diff(y2, y1))
    th = _df_from_double(thresh)
    eps = _df_from_double(1e-12)

    def body(t, state):
        suppressed, keep, count = state
        i = order[t]
        active = jnp.logical_not(suppressed[i])
        xx1 = jnp.maximum(x1[i], x1)
        yy1 = jnp.maximum(y1[i], y1)
        xx2 = jnp.minimum(x2[i], x2)
        yy2 = jnp.minimum(y2[i], y2)
        w = _two_diff(xx2, xx1)
        h = _two_diff(yy2, yy1)
        w = (jnp.where(w[0] > 0, w[0], 0.0), jnp.where(w[0] > 0, w[1], 0.0))
        h = (jnp.where(h[0] > 0, h[0], 0.0), jnp.where(h[0] > 0, h[1], 0.0))
        inter = _df_mul(w, h)
        a_i = (areas[0][i], areas[1][i])
        denom = _df_add(_df_add(_df_add(a_i, areas), _df_neg(inter)), eps)
        over = _df_gt(inter, _df_mul(denom, th))
        suppressed = jnp.where(active, jnp.logical_or(suppressed, over), suppressed)
        keep = keep.at[count].set(jnp.where(active, i, keep[count]))
        count = count + active.astype(jnp.int32)
        return suppressed, keep, count

    state0 = (jnp.zeros((n,), dtype=bool), jnp.zeros((n,), dtype=jnp.int32), jnp.int32(0))
    suppressed, keep, count = lax.fori_loop(0, n, body, state0)
    return keep, count


def _head_and_flatten(features, conv_w, conv_b, cls_w, cls_b, bbox_w, bbox_b):
    t = jax.nn.relu(_conv(features, conv_w, conv_b, 1))
    objectness = _conv(t, cls_w, cls_b, 0)
    deltas = _conv(t, bbox_w, bbox_b, 0)
    N = features.shape[0]
    H, W = features.shape[-2], features.shape[-1]
    obj = objectness.reshape(N, A, 1, H, W).transpose(0, 3, 4, 1, 2).reshape(N, -1)
    dl = deltas.reshape(N, A, 4, H, W).transpose(0, 3, 4, 1, 2).reshape(N, -1, 4)
    return obj, dl


def setup_inputs(seed: int = 0):
    key = jax.random.key(seed)
    ks = jax.random.split(key, 8)
    images = jax.random.normal(ks[0], (2, 3, IMG, IMG), dtype=jnp.float32)
    features = jax.random.normal(ks[1], (2, 256, GRID, GRID), dtype=jnp.float32)
    conv_w = jax.random.normal(ks[2], (256, 256, 3, 3), dtype=jnp.float32) * 0.02
    conv_b = jnp.zeros((256,), dtype=jnp.float32)
    cls_w = jax.random.normal(ks[3], (A, 256, 1, 1), dtype=jnp.float32) * 0.02
    cls_b = jnp.zeros((A,), dtype=jnp.float32)
    bbox_w = jax.random.normal(ks[4], (A * 4, 256, 1, 1), dtype=jnp.float32) * 0.02
    bbox_b = jnp.zeros((A * 4,), dtype=jnp.float32)
    return {'images': images, 'features': features, 'conv_w': conv_w, 'conv_b': conv_b, 'cls_w': cls_w, 'cls_b': cls_b, 'bbox_w': bbox_w, 'bbox_b': bbox_b}


def reference(images, features, conv_w, conv_b, cls_w, cls_b, bbox_w, bbox_b):
    anchors = _make_anchors()
    obj, dl = _head_and_flatten(features, conv_w, conv_b, cls_w, cls_b, bbox_w, bbox_b)
    N = features.shape[0]
    img_h, img_w = images.shape[-2], images.shape[-1]
    outs = []
    for i in range(N):
        props = _decode(dl[i], anchors)
        topv, topi = lax.top_k(obj[i], PRE_NMS)
        boxes = _clip_boxes(props[topi], img_h, img_w)
        probs = jax.nn.sigmoid(topv)
        ws = boxes[:, 2] - boxes[:, 0]
        hs = boxes[:, 3] - boxes[:, 1]
        valid = (ws >= MIN_SIZE) & (hs >= MIN_SIZE)
        probs = jnp.where(valid, probs, -1.0)
        keep, kcount = _nms_np(boxes, probs, NMS_THRESH)
        pos = jnp.arange(POST_NMS, dtype=jnp.int32)
        sel = jnp.where(pos < kcount, keep[:POST_NMS], 0)
        kb = jnp.where((pos < kcount)[:, None], boxes[sel], jnp.zeros((POST_NMS, 4), dtype=jnp.float32))
        outs.append(kb)
    return jnp.stack(outs, axis=0)

if __name__ == "__main__":
    import jax
    _d = setup_inputs()
    print(jax.jit(kernel)(*tuple(_d.values())))

</pallas_src>

<mosaic_0001>
module attributes {stable_mosaic.version = 14 : i64} {
  func.func @_head_kernel(%arg0: i32, %arg1: memref<1x2816x256xf32, #tpu.memory_space<vmem>>, %arg2: memref<9x256x256xf32, #tpu.memory_space<vmem>>, %arg3: memref<1x256xf32, #tpu.memory_space<vmem>>, %arg4: memref<256x128xf32, #tpu.memory_space<vmem>>, %arg5: memref<1x128xf32, #tpu.memory_space<vmem>>, %arg6: memref<256x128xf32, #tpu.memory_space<vmem>>, %arg7: memref<1x128xf32, #tpu.memory_space<vmem>>, %arg8: memref<1x2704x128xf32, #tpu.memory_space<vmem>>, %arg9: memref<1x2704x128xf32, #tpu.memory_space<vmem>>) attributes {dimension_semantics = [#tpu.dimension_semantics<arbitrary>], iteration_bounds = array<i64: 2>, scalar_prefetch = 0 : i64, scratch_operands = 0 : i64, tpu.core_type = #tpu.core_type<tc>, window_params = [{transform_indices = @transform_0, window_bounds = array<i64: 1, 2816, 256>}, {pipeline_mode = #tpu.pipeline_mode<synchronous>, transform_indices = @transform_1, window_bounds = array<i64: 9, 256, 256>}, {pipeline_mode = #tpu.pipeline_mode<synchronous>, transform_indices = @transform_2, window_bounds = array<i64: 1, 256>}, {pipeline_mode = #tpu.pipeline_mode<synchronous>, transform_indices = @transform_3, window_bounds = array<i64: 256, 128>}, {pipeline_mode = #tpu.pipeline_mode<synchronous>, transform_indices = @transform_4, window_bounds = array<i64: 1, 128>}, {pipeline_mode = #tpu.pipeline_mode<synchronous>, transform_indices = @transform_5, window_bounds = array<i64: 256, 128>}, {pipeline_mode = #tpu.pipeline_mode<synchronous>, transform_indices = @transform_6, window_bounds = array<i64: 1, 128>}, {transform_indices = @transform_7, window_bounds = array<i64: 1, 2704, 128>}, {transform_indices = @transform_8, window_bounds = array<i64: 1, 2704, 128>}]} {
    %get3A = arith.constant 0 : index
    %get3A_0 = arith.constant 0 : index
    %get3A_1 = arith.constant 0 : index
    %get3A_2 = vector.load %arg1[%get3A, %get3A_0, %get3A_1] : memref<1x2816x256xf32, #tpu.memory_space<vmem>>, vector<1x2816x256xf32>
    %get3A_3 = vector.shape_cast %get3A_2 : vector<1x2816x256xf32> to vector<2816x256xf32>
    %broadcast_in_dim3A = arith.constant 0.000000e+00 : f32
    %broadcast_in_dim3A_4 = vector.broadcast %broadcast_in_dim3A : f32 to vector<2704x256xf32>
    %slice3A = vector.extract_strided_slice %get3A_3 {offsets = [0, 0], sizes = [2704, 256], strides = [1, 1]} : vector<2816x256xf32> to vector<2704x256xf32>
    %get3A_5 = arith.constant 0 : index
    %get3A_6 = arith.constant 0 : index
    %get3A_7 = arith.constant 0 : index
    %get3A_8 = vector.load %arg2[%get3A_5, %get3A_6, %get3A_7] : memref<9x256x256xf32, #tpu.memory_space<vmem>>, vector<1x256x256xf32>
    %get3A_9 = vector.shape_cast %get3A_8 : vector<1x256x256xf32> to vector<256x256xf32>
    %dot_general3A = arith.constant dense<0.000000e+00> : vector<2704x256xf32>
    %dot_general3A_10 = tpu.matmul %slice3A, %get3A_9, %dot_general3A {dimension_numbers = #tpu.dot_dimension_numbers<[1], [0], [0], [1], [0, 0, 1, 1], [], []>, transpose_lhs_hint = false} : vector<2704x256xf32>, vector<256x256xf32>, vector<2704x256xf32> -> vector<2704x256xf32>
    %add3A = arith.addf %broadcast_in_dim3A_4, %dot_general3A_10 : vector<2704x256xf32>
    %slice3A_11 = vector.extract_strided_slice %get3A_3 {offsets = [1, 0], sizes = [2704, 256], strides = [1, 1]} : vector<2816x256xf32> to vector<2704x256xf32>
    %get3A_12 = arith.constant 1 : index
    %get3A_13 = arith.constant 0 : index
    %get3A_14 = arith.constant 0 : index
    %get3A_15 = vector.load %arg2[%get3A_12, %get3A_13, %get3A_14] : memref<9x256x256xf32, #tpu.memory_space<vmem>>, vector<1x256x256xf32>
    %get3A_16 = vector.shape_cast %get3A_15 : vector<1x256x256xf32> to vector<256x256xf32>
    %dot_general3A_17 = arith.constant dense<0.000000e+00> : vector<2704x256xf32>
    %dot_general3A_18 = tpu.matmul %slice3A_11, %get3A_16, %dot_general3A_17 {dimension_numbers = #tpu.dot_dimension_numbers<[1], [0], [0], [1], [0, 0, 1, 1], [], []>, transpose_lhs_hint = false} : vector<2704x256xf32>, vector<256x256xf32>, vector<2704x256xf32> -> vector<2704x256xf32>
    %add3A_19 = arith.addf %add3A, %dot_general3A_18 : vector<2704x256xf32>
    %slice3A_20 = vector.extract_strided_slice %get3A_3 {offsets = [2, 0], sizes = [2704, 256], strides = [1, 1]} : vector<2816x256xf32> to vector<2704x256xf32>
    %get3A_21 = arith.constant 2 : index
    %get3A_22 = arith.constant 0 : index
    %get3A_23 = arith.constant 0 : index
    %get3A_24 = vector.load %arg2[%get3A_21, %get3A_22, %get3A_23] : memref<9x256x256xf32, #tpu.memory_space<vmem>>, vector<1x256x256xf32>
    %get3A_25 = vector.shape_cast %get3A_24 : vector<1x256x256xf32> to vector<256x256xf32>
    %dot_general3A_26 = arith.constant dense<0.000000e+00> : vector<2704x256xf32>
    %dot_general3A_27 = tpu.matmul %slice3A_20, %get3A_25, %dot_general3A_26 {dimension_numbers = #tpu.dot_dimension_numbers<[1], [0], [0], [1], [0, 0, 1, 1], [], []>, transpose_lhs_hint = false} : vector<2704x256xf32>, vector<256x256xf32>, vector<2704x256xf32> -> vector<2704x256xf32>
    %add3A_28 = arith.addf %add3A_19, %dot_general3A_27 : vector<2704x256xf32>
    %slice3A_29 = vector.extract_strided_slice %get3A_3 {offsets = [52, 0], sizes = [2704, 256], strides = [1, 1]} : vector<2816x256xf32> to vector<2704x256xf32>
    %get3A_30 = arith.constant 3 : index
    %get3A_31 = arith.constant 0 : index
    %get3A_32 = arith.constant 0 : index
    %get3A_33 = vector.load %arg2[%get3A_30, %get3A_31, %get3A_32] : memref<9x256x256xf32, #tpu.memory_space<vmem>>, vector<1x256x256xf32>
    %get3A_34 = vector.shape_cast %get3A_33 : vector<1x256x256xf32> to vector<256x256xf32>
    %dot_general3A_35 = arith.constant dense<0.000000e+00> : vector<2704x256xf32>
    %dot_general3A_36 = tpu.matmul %slice3A_29, %get3A_34, %dot_general3A_35 {dimension_numbers = #tpu.dot_dimension_numbers<[1], [0], [0], [1], [0, 0, 1, 1], [], []>, transpose_lhs_hint = false} : vector<2704x256xf32>, vector<256x256xf32>, vector<2704x256xf32> -> vector<2704x256xf32>
    %add3A_37 = arith.addf %add3A_28, %dot_general3A_36 : vector<2704x256xf32>
    %slice3A_38 = vector.extract_strided_slice %get3A_3 {offsets = [53, 0], sizes = [2704, 256], strides = [1, 1]} : vector<2816x256xf32> to vector<2704x256xf32>
    %get3A_39 = arith.constant 4 : index
    %get3A_40 = arith.constant 0 : index
    %get3A_41 = arith.constant 0 : index
    %get3A_42 = vector.load %arg2[%get3A_39, %get3A_40, %get3A_41] : memref<9x256x256xf32, #tpu.memory_space<vmem>>, vector<1x256x256xf32>
    %get3A_43 = vector.shape_cast %get3A_42 : vector<1x256x256xf32> to vector<256x256xf32>
    %dot_general3A_44 = arith.constant dense<0.000000e+00> : vector<2704x256xf32>
    %dot_general3A_45 = tpu.matmul %slice3A_38, %get3A_43, %dot_general3A_44 {dimension_numbers = #tpu.dot_dimension_numbers<[1], [0], [0], [1], [0, 0, 1, 1], [], []>, transpose_lhs_hint = false} : vector<2704x256xf32>, vector<256x256xf32>, vector<2704x256xf32> -> vector<2704x256xf32>
    %add3A_46 = arith.addf %add3A_37, %dot_general3A_45 : vector<2704x256xf32>
    %slice3A_47 = vector.extract_strided_slice %get3A_3 {offsets = [54, 0], sizes = [2704, 256], strides = [1, 1]} : vector<2816x256xf32> to vector<2704x256xf32>
    %get3A_48 = arith.constant 5 : index
    %get3A_49 = arith.constant 0 : index
    %get3A_50 = arith.constant 0 : index
    %get3A_51 = vector.load %arg2[%get3A_48, %get3A_49, %get3A_50] : memref<9x256x256xf32, #tpu.memory_space<vmem>>, vector<1x256x256xf32>
    %get3A_52 = vector.shape_cast %get3A_51 : vector<1x256x256xf32> to vector<256x256xf32>
    %dot_general3A_53 = arith.constant dense<0.000000e+00> : vector<2704x256xf32>
    %dot_general3A_54 = tpu.matmul %slice3A_47, %get3A_52, %dot_general3A_53 {dimension_numbers = #tpu.dot_dimension_numbers<[1], [0], [0], [1], [0, 0, 1, 1], [], []>, transpose_lhs_hint = false} : vector<2704x256xf32>, vector<256x256xf32>, vector<2704x256xf32> -> vector<2704x256xf32>
    %add3A_55 = arith.addf %add3A_46, %dot_general3A_54 : vector<2704x256xf32>
    %slice3A_56 = vector.extract_strided_slice %get3A_3 {offsets = [104, 0], sizes = [2704, 256], strides = [1, 1]} : vector<2816x256xf32> to vector<2704x256xf32>
    %get3A_57 = arith.constant 6 : index
    %get3A_58 = arith.constant 0 : index
    %get3A_59 = arith.constant 0 : index
    %get3A_60 = vector.load %arg2[%get3A_57, %get3A_58, %get3A_59] : memref<9x256x256xf32, #tpu.memory_space<vmem>>, vector<1x256x256xf32>
    %get3A_61 = vector.shape_cast %get3A_60 : vector<1x256x256xf32> to vector<256x256xf32>
    %dot_general3A_62 = arith.constant dense<0.000000e+00> : vector<2704x256xf32>
    %dot_general3A_63 = tpu.matmul %slice3A_56, %get3A_61, %dot_general3A_62 {dimension_numbers = #tpu.dot_dimension_numbers<[1], [0], [0], [1], [0, 0, 1, 1], [], []>, transpose_lhs_hint = false} : vector<2704x256xf32>, vector<256x256xf32>, vector<2704x256xf32> -> vector<2704x256xf32>
    %add3A_64 = arith.addf %add3A_55, %dot_general3A_63 : vector<2704x256xf32>
    %slice3A_65 = vector.extract_strided_slice %get3A_3 {offsets = [105, 0], sizes = [2704, 256], strides = [1, 1]} : vector<2816x256xf32> to vector<2704x256xf32>
    %get3A_66 = arith.constant 7 : index
    %get3A_67 = arith.constant 0 : index
    %get3A_68 = arith.constant 0 : index
    %get3A_69 = vector.load %arg2[%get3A_66, %get3A_67, %get3A_68] : memref<9x256x256xf32, #tpu.memory_space<vmem>>, vector<1x256x256xf32>
    %get3A_70 = vector.shape_cast %get3A_69 : vector<1x256x256xf32> to vector<256x256xf32>
    %dot_general3A_71 = arith.constant dense<0.000000e+00> : vector<2704x256xf32>
    %dot_general3A_72 = tpu.matmul %slice3A_65, %get3A_70, %dot_general3A_71 {dimension_numbers = #tpu.dot_dimension_numbers<[1], [0], [0], [1], [0, 0, 1, 1], [], []>, transpose_lhs_hint = false} : vector<2704x256xf32>, vector<256x256xf32>, vector<2704x256xf32> -> vector<2704x256xf32>
    %add3A_73 = arith.addf %add3A_64, %dot_general3A_72 : vector<2704x256xf32>
    %slice3A_74 = vector.extract_strided_slice %get3A_3 {offsets = [106, 0], sizes = [2704, 256], strides = [1, 1]} : vector<2816x256xf32> to vector<2704x256xf32>
    %get3A_75 = arith.constant 8 : index
    %get3A_76 = arith.constant 0 : index
    %get3A_77 = arith.constant 0 : index
    %get3A_78 = vector.load %arg2[%get3A_75, %get3A_76, %get3A_77] : memref<9x256x256xf32, #tpu.memory_space<vmem>>, vector<1x256x256xf32>
    %get3A_79 = vector.shape_cast %get3A_78 : vector<1x256x256xf32> to vector<256x256xf32>
    %dot_general3A_80 = arith.constant dense<0.000000e+00> : vector<2704x256xf32>
    %dot_general3A_81 = tpu.matmul %slice3A_74, %get3A_79, %dot_general3A_80 {dimension_numbers = #tpu.dot_dimension_numbers<[1], [0], [0], [1], [0, 0, 1, 1], [], []>, transpose_lhs_hint = false} : vector<2704x256xf32>, vector<256x256xf32>, vector<2704x256xf32> -> vector<2704x256xf32>
    %add3A_82 = arith.addf %add3A_73, %dot_general3A_81 : vector<2704x256xf32>
    %get3A_83 = arith.constant 0 : index
    %get3A_84 = arith.constant 0 : index
    %get3A_85 = vector.load %arg3[%get3A_83, %get3A_84] : memref<1x256xf32, #tpu.memory_space<vmem>>, vector<1x256xf32>
    %add3A_86 = vector.broadcast %get3A_85 : vector<1x256xf32> to vector<2704x256xf32>
    %add3A_87 = arith.addf %add3A_82, %add3A_86 : vector<2704x256xf32>
    %max3A = arith.constant 0.000000e+00 : f32
    %max3A_88 = vector.broadcast %max3A : f32 to vector<2704x256xf32>
    %max3A_89 = arith.maximumf %add3A_87, %max3A_88 : vector<2704x256xf32>
    %get3A_90 = arith.constant 0 : index
    %get3A_91 = arith.constant 0 : index
    %get3A_92 = vector.load %arg4[%get3A_90, %get3A_91] : memref<256x128xf32, #tpu.memory_space<vmem>>, vector<256x128xf32>
    %dot_general3A_93 = arith.constant dense<0.000000e+00> : vector<2704x128xf32>
    %dot_general3A_94 = tpu.matmul %max3A_89, %get3A_92, %dot_general3A_93 {dimension_numbers = #tpu.dot_dimension_numbers<[1], [0], [0], [1], [0, 0, 1, 1], [], []>, transpose_lhs_hint = false} : vector<2704x256xf32>, vector<256x128xf32>, vector<2704x128xf32> -> vector<2704x128xf32>
    %get3A_95 = arith.constant 0 : index
    %get3A_96 = arith.constant 0 : index
    %get3A_97 = vector.load %arg5[%get3A_95, %get3A_96] : memref<1x128xf32, #tpu.memory_space<vmem>>, vector<1x128xf32>
    %add3A_98 = vector.broadcast %get3A_97 : vector<1x128xf32> to vector<2704x128xf32>
    %add3A_99 = arith.addf %dot_general3A_94, %add3A_98 : vector<2704x128xf32>
    %swap3A = arith.constant 0 : index
    %swap3A_100 = arith.constant 0 : index
    %swap3A_101 = arith.constant 0 : index
    %swap3A_102 = vector.load %arg8[%swap3A, %swap3A_100, %swap3A_101] : memref<1x2704x128xf32, #tpu.memory_space<vmem>>, vector<1x2704x128xf32>
    %swap3A_103 = vector.shape_cast %swap3A_102 : vector<1x2704x128xf32> to vector<2704x128xf32>
    %swap3A_104 = vector.shape_cast %add3A_99 : vector<2704x128xf32> to vector<1x2704x128xf32>
    tpu.vector_store %arg8[%swap3A, %swap3A_100, %swap3A_101], %swap3A_104 {strides = array<i32>} : memref<1x2704x128xf32, #tpu.memory_space<vmem>>, vector<1x2704x128xf32>,
    %get3A_105 = arith.constant 0 : index
    %get3A_106 = arith.constant 0 : index
    %get3A_107 = vector.load %arg6[%get3A_105, %get3A_106] : memref<256x128xf32, #tpu.memory_space<vmem>>, vector<256x128xf32>
    %dot_general3A_108 = arith.constant dense<0.000000e+00> : vector<2704x128xf32>
    %dot_general3A_109 = tpu.matmul %max3A_89, %get3A_107, %dot_general3A_108 {dimension_numbers = #tpu.dot_dimension_numbers<[1], [0], [0], [1], [0, 0, 1, 1], [], []>, transpose_lhs_hint = false} : vector<2704x256xf32>, vector<256x128xf32>, vector<2704x128xf32> -> vector<2704x128xf32>
    %get3A_110 = arith.constant 0 : index
    %get3A_111 = arith.constant 0 : index
    %get3A_112 = vector.load %arg7[%get3A_110, %get3A_111] : memref<1x128xf32, #tpu.memory_space<vmem>>, vector<1x128xf32>
    %add3A_113 = vector.broadcast %get3A_112 : vector<1x128xf32> to vector<2704x128xf32>
    %add3A_114 = arith.addf %dot_general3A_109, %add3A_113 : vector<2704x128xf32>
    %swap3A_115 = arith.constant 0 : index
    %swap3A_116 = arith.constant 0 : index
    %swap3A_117 = arith.constant 0 : index
    %swap3A_118 = vector.load %arg9[%swap3A_115, %swap3A_116, %swap3A_117] : memref<1x2704x128xf32, #tpu.memory_space<vmem>>, vector<1x2704x128xf32>
    %swap3A_119 = vector.shape_cast %swap3A_118 : vector<1x2704x128xf32> to vector<2704x128xf32>
    %swap3A_120 = vector.shape_cast %add3A_114 : vector<2704x128xf32> to vector<1x2704x128xf32>
    tpu.vector_store %arg9[%swap3A_115, %swap3A_116, %swap3A_117], %swap3A_120 {strides = array<i32>} : memref<1x2704x128xf32, #tpu.memory_space<vmem>>, vector<1x2704x128xf32>,
    return
  }
  func.func @transform_0(%arg0: i32) -> (i32, i32, i32) {
    %c0_i32 = arith.constant 0 : i32
    %c0_i32_0 = arith.constant 0 : i32
    %c0_i32_1 = arith.constant 0 : i32
    return %arg0, %c0_i32, %c0_i32_0 : i32, i32, i32
  }
  func.func @transform_1(%arg0: i32) -> (i32, i32, i32) {
    %c0_i32 = arith.constant 0 : i32
    %c0_i32_0 = arith.constant 0 : i32
    %c0_i32_1 = arith.constant 0 : i32
    %c0_i32_2 = arith.constant 0 : i32
    return %c0_i32, %c0_i32_0, %c0_i32_1 : i32, i32, i32
  }
  func.func @transform_2(%arg0: i32) -> (i32, i32) {
    %c0_i32 = arith.constant 0 : i32
    %c0_i32_0 = arith.constant 0 : i32
    %c0_i32_1 = arith.constant 0 : i32
    return %c0_i32, %c0_i32_0 : i32, i32
  }
  func.func @transform_3(%arg0: i32) -> (i32, i32) {
    %c0_i32 = arith.constant 0 : i32
    %c0_i32_0 = arith.constant 0 : i32
    %c0_i32_1 = arith.constant 0 : i32
    return %c0_i32, %c0_i32_0 : i32, i32
  }
  func.func @transform_4(%arg0: i32) -> (i32, i32) {
    %c0_i32 = arith.constant 0 : i32
    %c0_i32_0 = arith.constant 0 : i32
    %c0_i32_1 = arith.constant 0 : i32
    return %c0_i32, %c0_i32_0 : i32, i32
  }
  func.func @transform_5(%arg0: i32) -> (i32, i32) {
    %c0_i32 = arith.constant 0 : i32
    %c0_i32_0 = arith.constant 0 : i32
    %c0_i32_1 = arith.constant 0 : i32
    return %c0_i32, %c0_i32_0 : i32, i32
  }
  func.func @transform_6(%arg0: i32) -> (i32, i32) {
    %c0_i32 = arith.constant 0 : i32
    %c0_i32_0 = arith.constant 0 : i32
    %c0_i32_1 = arith.constant 0 : i32
    return %c0_i32, %c0_i32_0 : i32, i32
  }
  func.func @transform_7(%arg0: i32) -> (i32, i32, i32) {
    %c0_i32 = arith.constant 0 : i32
    %c0_i32_0 = arith.constant 0 : i32
    %c0_i32_1 = arith.constant 0 : i32
    return %arg0, %c0_i32, %c0_i32_0 : i32, i32, i32
  }
  func.func @transform_8(%arg0: i32) -> (i32, i32, i32) {
    %c0_i32 = arith.constant 0 : i32
    %c0_i32_0 = arith.constant 0 : i32
    %c0_i32_1 = arith.constant 0 : i32
    return %arg0, %c0_i32, %c0_i32_0 : i32, i32, i32
  }
}

module attributes {stable_mosaic.version = 14 : i64} {
  func.func @_nms_kernel(%arg0: i32, %arg1: memref<1x8x128xf32, #tpu.memory_space<vmem>>, %arg2: memref<1x8x128xf32, #tpu.memory_space<vmem>>, %arg3: memref<1x8x128xf32, #tpu.memory_space<vmem>>, %arg4: memref<1x8x128xf32, #tpu.memory_space<vmem>>, %arg5: memref<2x1024xf32, #tpu.memory_space<smem>>, %arg6: memref<2x1024xf32, #tpu.memory_space<smem>>, %arg7: memref<2x1024xf32, #tpu.memory_space<smem>>, %arg8: memref<2x1024xf32, #tpu.memory_space<smem>>, %arg9: memref<2x1024xi32, #tpu.memory_space<smem>>, %arg10: memref<1x8x128xf32, #tpu.memory_space<vmem>>, %arg11: memref<8x128xf32, #tpu.memory_space<vmem>>) attributes {dimension_semantics = [#tpu.dimension_semantics<arbitrary>], iteration_bounds = array<i64: 2>, scalar_prefetch = 0 : i64, scratch_operands = 1 : i64, tpu.core_type = #tpu.core_type<tc>, window_params = [{transform_indices = @transform_0, window_bounds = array<i64: 1, 8, 128>}, {transform_indices = @transform_1, window_bounds = array<i64: 1, 8, 128>}, {transform_indices = @transform_2, window_bounds = array<i64: 1, 8, 128>}, {transform_indices = @transform_3, window_bounds = array<i64: 1, 8, 128>}, {transform_indices = @transform_4, window_bounds = array<i64: 2, 1024>}, {transform_indices = @transform_5, window_bounds = array<i64: 2, 1024>}, {transform_indices = @transform_6, window_bounds = array<i64: 2, 1024>}, {transform_indices = @transform_7, window_bounds = array<i64: 2, 1024>}, {transform_indices = @transform_8, window_bounds = array<i64: 2, 1024>}, {transform_indices = @transform_9, window_bounds = array<i64: 1, 8, 128>}]} {
    %get3A = arith.constant 0 : index
    %get3A_0 = arith.constant 0 : index
    %get3A_1 = arith.constant 0 : index
    %get3A_2 = vector.load %arg1[%get3A, %get3A_0, %get3A_1] : memref<1x8x128xf32, #tpu.memory_space<vmem>>, vector<1x8x128xf32>
    %get3A_3 = vector.shape_cast %get3A_2 : vector<1x8x128xf32> to vector<8x128xf32>
    %get3A_4 = arith.constant 0 : index
    %get3A_5 = arith.constant 0 : index
    %get3A_6 = arith.constant 0 : index
    %get3A_7 = vector.load %arg2[%get3A_4, %get3A_5, %get3A_6] : memref<1x8x128xf32, #tpu.memory_space<vmem>>, vector<1x8x128xf32>
    %get3A_8 = vector.shape_cast %get3A_7 : vector<1x8x128xf32> to vector<8x128xf32>
    %get3A_9 = arith.constant 0 : index
    %get3A_10 = arith.constant 0 : index
    %get3A_11 = arith.constant 0 : index
    %get3A_12 = vector.load %arg3[%get3A_9, %get3A_10, %get3A_11] : memref<1x8x128xf32, #tpu.memory_space<vmem>>, vector<1x8x128xf32>
    %get3A_13 = vector.shape_cast %get3A_12 : vector<1x8x128xf32> to vector<8x128xf32>
    %get3A_14 = arith.constant 0 : index
    %get3A_15 = arith.constant 0 : index
    %get3A_16 = arith.constant 0 : index
    %get3A_17 = vector.load %arg4[%get3A_14, %get3A_15, %get3A_16] : memref<1x8x128xf32, #tpu.memory_space<vmem>>, vector<1x8x128xf32>
    %get3A_18 = vector.shape_cast %get3A_17 : vector<1x8x128xf32> to vector<8x128xf32>
    %sub3A = arith.subf %get3A_13, %get3A_3 : vector<8x128xf32>
    %sub3A_19 = arith.subf %sub3A, %get3A_13 : vector<8x128xf32>
    %sub3A_20 = arith.subf %sub3A, %sub3A_19 : vector<8x128xf32>
    %sub3A_21 = arith.subf %get3A_13, %sub3A_20 : vector<8x128xf32>
    %add3A = arith.addf %get3A_3, %sub3A_19 : vector<8x128xf32>
    %sub3A_22 = arith.subf %sub3A_21, %add3A : vector<8x128xf32>
    %sub3A_23 = arith.subf %get3A_18, %get3A_8 : vector<8x128xf32>
    %sub3A_24 = arith.subf %sub3A_23, %get3A_18 : vector<8x128xf32>
    %sub3A_25 = arith.subf %sub3A_23, %sub3A_24 : vector<8x128xf32>
    %sub3A_26 = arith.subf %get3A_18, %sub3A_25 : vector<8x128xf32>
    %add3A_27 = arith.addf %get3A_8, %sub3A_24 : vector<8x128xf32>
    %sub3A_28 = arith.subf %sub3A_26, %add3A_27 : vector<8x128xf32>
    %mul3A = arith.mulf %sub3A, %sub3A_23 : vector<8x128xf32>
    %mul3A_29 = arith.constant 4.097000e+03 : f32
    %mul3A_30 = vector.broadcast %mul3A_29 : f32 to vector<8x128xf32>
    %mul3A_31 = arith.mulf %mul3A_30, %sub3A : vector<8x128xf32>
    %sub3A_32 = arith.subf %mul3A_31, %sub3A : vector<8x128xf32>
    %sub3A_33 = arith.subf %mul3A_31, %sub3A_32 : vector<8x128xf32>
    %sub3A_34 = arith.subf %sub3A, %sub3A_33 : vector<8x128xf32>
    %mul3A_35 = arith.constant 4.097000e+03 : f32
    %mul3A_36 = vector.broadcast %mul3A_35 : f32 to vector<8x128xf32>
    %mul3A_37 = arith.mulf %mul3A_36, %sub3A_23 : vector<8x128xf32>
    %sub3A_38 = arith.subf %mul3A_37, %sub3A_23 : vector<8x128xf32>
    %sub3A_39 = arith.subf %mul3A_37, %sub3A_38 : vector<8x128xf32>
    %sub3A_40 = arith.subf %sub3A_23, %sub3A_39 : vector<8x128xf32>
    %mul3A_41 = arith.mulf %sub3A_33, %sub3A_39 : vector<8x128xf32>
    %sub3A_42 = arith.subf %mul3A_41, %mul3A : vector<8x128xf32>
    %mul3A_43 = arith.mulf %sub3A_33, %sub3A_40 : vector<8x128xf32>
    %add3A_44 = arith.addf %sub3A_42, %mul3A_43 : vector<8x128xf32>
    %mul3A_45 = arith.mulf %sub3A_34, %sub3A_39 : vector<8x128xf32>
    %add3A_46 = arith.addf %add3A_44, %mul3A_45 : vector<8x128xf32>
    %mul3A_47 = arith.mulf %sub3A_34, %sub3A_40 : vector<8x128xf32>
    %add3A_48 = arith.addf %add3A_46, %mul3A_47 : vector<8x128xf32>
    %mul3A_49 = arith.mulf %sub3A, %sub3A_28 : vector<8x128xf32>
    %mul3A_50 = arith.mulf %sub3A_22, %sub3A_23 : vector<8x128xf32>
    %add3A_51 = arith.addf %mul3A_49, %mul3A_50 : vector<8x128xf32>
    %add3A_52 = arith.addf %add3A_48, %add3A_51 : vector<8x128xf32>
    %add3A_53 = arith.addf %mul3A, %add3A_52 : vector<8x128xf32>
    %sub3A_54 = arith.subf %add3A_53, %mul3A : vector<8x128xf32>
    %sub3A_55 = arith.subf %add3A_52, %sub3A_54 : vector<8x128xf32>
    %iota3A = tpu.iota {dimensions = array<i32: 0>} : vector<8x128xi32>
    %mul3A_56 = arith.constant 128 : i32
    %mul3A_57 = vector.broadcast %mul3A_56 : i32 to vector<8x128xi32>
    %mul3A_58 = arith.muli %iota3A, %mul3A_57 : vector<8x128xi32>
    %iota3A_59 = tpu.iota {dimensions = array<i32: 1>} : vector<8x128xi32>
    %add3A_60 = arith.addi %mul3A_58, %iota3A_59 : vector<8x128xi32>
    %broadcast_in_dim3A = arith.constant 0.000000e+00 : f32
    %broadcast_in_dim3A_61 = vector.broadcast %broadcast_in_dim3A : f32 to vector<8x128xf32>
    %swap3A = arith.constant 0 : index
    %swap3A_62 = arith.constant 0 : index
    %swap3A_63 = vector.load %arg11[%swap3A, %swap3A_62] : memref<8x128xf32, #tpu.memory_space<vmem>>, vector<8x128xf32>
    tpu.vector_store %arg11[%swap3A, %swap3A_62], %broadcast_in_dim3A_61 {strides = array<i32>} : memref<8x128xf32, #tpu.memory_space<vmem>>, vector<8x128xf32>,
    %broadcast_in_dim3A_64 = arith.constant 0.000000e+00 : f32
    %broadcast_in_dim3A_65 = vector.broadcast %broadcast_in_dim3A_64 : f32 to vector<8x128xf32>
    %swap3A_66 = arith.constant 0 : index
    %swap3A_67 = arith.constant 0 : index
    %swap3A_68 = arith.constant 0 : index
    %swap3A_69 = vector.load %arg10[%swap3A_66, %swap3A_67, %swap3A_68] : memref<1x8x128xf32, #tpu.memory_space<vmem>>, vector<1x8x128xf32>
    %swap3A_70 = vector.shape_cast %swap3A_69 : vector<1x8x128xf32> to vector<8x128xf32>
    %swap3A_71 = vector.shape_cast %broadcast_in_dim3A_65 : vector<8x128xf32> to vector<1x8x128xf32>
    tpu.vector_store %arg10[%swap3A_66, %swap3A_67, %swap3A_68], %swap3A_71 {strides = array<i32>} : memref<1x8x128xf32, #tpu.memory_space<vmem>>, vector<1x8x128xf32>,
    %scan3A = arith.constant 9.99999996E-13 : f32
    %scan3A_72 = arith.constant 3.99580258E-21 : f32
    %scan3A_73 = arith.constant 0.699999988 : f32
    %scan3A_74 = arith.constant 1.19209291E-8 : f32
    %scan3A_75 = arith.constant 0 : i32
    %scan3A_76 = arith.constant 1000 : i32
    %scan3A_77 = arith.addi %scan3A_75, %scan3A_76 : i32
    %scan3A_78 = arith.constant 1 : i32
    scf.for %scan3A_80 = %scan3A_75 to %scan3A_77 step %scan3A_78  : i32 {
      %get3A_81 = arith.index_cast %arg0 : i32 to index
      %get3A_82 = arith.index_cast %scan3A_80 : i32 to index
      %get3A_83 = memref.load %arg9[%get3A_81, %get3A_82] : memref<2x1024xi32, #tpu.memory_space<smem>>
      %get3A_84 = arith.index_cast %arg0 : i32 to index
      %get3A_85 = arith.index_cast %get3A_83 : i32 to index
      %get3A_86 = memref.load %arg5[%get3A_84, %get3A_85] : memref<2x1024xf32, #tpu.memory_space<smem>>
      %get3A_87 = arith.index_cast %arg0 : i32 to index
      %get3A_88 = arith.index_cast %get3A_83 : i32 to index
      %get3A_89 = memref.load %arg6[%get3A_87, %get3A_88] : memref<2x1024xf32, #tpu.memory_space<smem>>
      %get3A_90 = arith.index_cast %arg0 : i32 to index
      %get3A_91 = arith.index_cast %get3A_83 : i32 to index
      %get3A_92 = memref.load %arg7[%get3A_90, %get3A_91] : memref<2x1024xf32, #tpu.memory_space<smem>>
      %get3A_93 = arith.index_cast %arg0 : i32 to index
      %get3A_94 = arith.index_cast %get3A_83 : i32 to index
      %get3A_95 = memref.load %arg8[%get3A_93, %get3A_94] : memref<2x1024xf32, #tpu.memory_space<smem>>
      %get3A_96 = arith.constant 0 : index
      %get3A_97 = arith.constant 0 : index
      %get3A_98 = vector.load %arg11[%get3A_96, %get3A_97] : memref<8x128xf32, #tpu.memory_space<vmem>>, vector<8x128xf32>
      %eq3A = vector.broadcast %get3A_83 : i32 to vector<8x128xi32>
      %eq3A_99 = arith.cmpi eq, %add3A_60, %eq3A : vector<8x128xi32>
      %jit3A = arith.constant 0.000000e+00 : f32
      %broadcast_in_dim3A_100 = vector.broadcast %jit3A : f32 to vector<8x128xf32>
      %select_n3A = arith.select %eq3A_99, %get3A_98, %broadcast_in_dim3A_100 : vector<8x128xi1>, vector<8x128xf32>
      %reduce_sum3A = vector.shape_cast %select_n3A : vector<8x128xf32> to vector<1x8x128xf32>
      %reduce_sum3A_101 = arith.constant dense<0.000000e+00> : vector<1xf32>
      %reduce_sum3A_102 = vector.multi_reduction <add>, %reduce_sum3A, %reduce_sum3A_101 [1, 2] : vector<1x8x128xf32> to vector<1xf32>
      %reduce_sum3A_103 = vector.shape_cast %reduce_sum3A_102 : vector<1xf32> to vector<1x1x1xf32>
      %reduce_sum3A_104 = vector.extract %reduce_sum3A_103[0, 0, 0] : f32 from vector<1x1x1xf32>
      %eq3A_105 = arith.constant 0.000000e+00 : f32
      %eq3A_106 = arith.cmpf oeq, %reduce_sum3A_104, %eq3A_105 : f32
      %max3A = vector.broadcast %get3A_86 : f32 to vector<8x128xf32>
      %max3A_107 = arith.maximumf %max3A, %get3A_3 : vector<8x128xf32>
      %max3A_108 = vector.broadcast %get3A_89 : f32 to vector<8x128xf32>
      %max3A_109 = arith.maximumf %max3A_108, %get3A_8 : vector<8x128xf32>
      %min3A = vector.broadcast %get3A_92 : f32 to vector<8x128xf32>
      %min3A_110 = arith.minimumf %min3A, %get3A_13 : vector<8x128xf32>
      %min3A_111 = vector.broadcast %get3A_95 : f32 to vector<8x128xf32>
      %min3A_112 = arith.minimumf %min3A_111, %get3A_18 : vector<8x128xf32>
      %sub3A_113 = arith.subf %min3A_110, %max3A_107 : vector<8x128xf32>
      %sub3A_114 = arith.subf %sub3A_113, %min3A_110 : vector<8x128xf32>
      %sub3A_115 = arith.subf %sub3A_113, %sub3A_114 : vector<8x128xf32>
      %sub3A_116 = arith.subf %min3A_110, %sub3A_115 : vector<8x128xf32>
      %add3A_117 = arith.addf %max3A_107, %sub3A_114 : vector<8x128xf32>
      %sub3A_118 = arith.subf %sub3A_116, %add3A_117 : vector<8x128xf32>
      %sub3A_119 = arith.subf %min3A_112, %max3A_109 : vector<8x128xf32>
      %sub3A_120 = arith.subf %sub3A_119, %min3A_112 : vector<8x128xf32>
      %sub3A_121 = arith.subf %sub3A_119, %sub3A_120 : vector<8x128xf32>
      %sub3A_122 = arith.subf %min3A_112, %sub3A_121 : vector<8x128xf32>
      %add3A_123 = arith.addf %max3A_109, %sub3A_120 : vector<8x128xf32>
      %sub3A_124 = arith.subf %sub3A_122, %add3A_123 : vector<8x128xf32>
      %gt3A = arith.constant 0.000000e+00 : f32
      %gt3A_125 = vector.broadcast %gt3A : f32 to vector<8x128xf32>
      %gt3A_126 = arith.cmpf ogt, %sub3A_113, %gt3A_125 : vector<8x128xf32>
      %jit3A_127 = arith.constant 0.000000e+00 : f32
      %broadcast_in_dim3A_128 = vector.broadcast %jit3A_127 : f32 to vector<8x128xf32>
      %select_n3A_129 = arith.select %gt3A_126, %sub3A_113, %broadcast_in_dim3A_128 : vector<8x128xi1>, vector<8x128xf32>
      %gt3A_130 = arith.constant 0.000000e+00 : f32
      %gt3A_131 = vector.broadcast %gt3A_130 : f32 to vector<8x128xf32>
      %gt3A_132 = arith.cmpf ogt, %sub3A_113, %gt3A_131 : vector<8x128xf32>
      %jit3A_133 = arith.constant 0.000000e+00 : f32
      %broadcast_in_dim3A_134 = vector.broadcast %jit3A_133 : f32 to vector<8x128xf32>
      %select_n3A_135 = arith.select %gt3A_132, %sub3A_118, %broadcast_in_dim3A_134 : vector<8x128xi1>, vector<8x128xf32>
      %gt3A_136 = arith.constant 0.000000e+00 : f32
      %gt3A_137 = vector.broadcast %gt3A_136 : f32 to vector<8x128xf32>
      %gt3A_138 = arith.cmpf ogt, %sub3A_119, %gt3A_137 : vector<8x128xf32>
      %jit3A_139 = arith.constant 0.000000e+00 : f32
      %broadcast_in_dim3A_140 = vector.broadcast %jit3A_139 : f32 to vector<8x128xf32>
      %select_n3A_141 = arith.select %gt3A_138, %sub3A_119, %broadcast_in_dim3A_140 : vector<8x128xi1>, vector<8x128xf32>
      %gt3A_142 = arith.constant 0.000000e+00 : f32
      %gt3A_143 = vector.broadcast %gt3A_142 : f32 to vector<8x128xf32>
      %gt3A_144 = arith.cmpf ogt, %sub3A_119, %gt3A_143 : vector<8x128xf32>
      %jit3A_145 = arith.constant 0.000000e+00 : f32
      %broadcast_in_dim3A_146 = vector.broadcast %jit3A_145 : f32 to vector<8x128xf32>
      %select_n3A_147 = arith.select %gt3A_144, %sub3A_124, %broadcast_in_dim3A_146 : vector<8x128xi1>, vector<8x128xf32>
      %mul3A_148 = arith.mulf %select_n3A_129, %select_n3A_141 : vector<8x128xf32>
      %mul3A_149 = arith.constant 4.097000e+03 : f32
      %mul3A_150 = vector.broadcast %mul3A_149 : f32 to vector<8x128xf32>
      %mul3A_151 = arith.mulf %mul3A_150, %select_n3A_129 : vector<8x128xf32>
      %sub3A_152 = arith.subf %mul3A_151, %select_n3A_129 : vector<8x128xf32>
      %sub3A_153 = arith.subf %mul3A_151, %sub3A_152 : vector<8x128xf32>
      %sub3A_154 = arith.subf %select_n3A_129, %sub3A_153 : vector<8x128xf32>
      %mul3A_155 = arith.constant 4.097000e+03 : f32
      %mul3A_156 = vector.broadcast %mul3A_155 : f32 to vector<8x128xf32>
      %mul3A_157 = arith.mulf %mul3A_156, %select_n3A_141 : vector<8x128xf32>
      %sub3A_158 = arith.subf %mul3A_157, %select_n3A_141 : vector<8x128xf32>
      %sub3A_159 = arith.subf %mul3A_157, %sub3A_158 : vector<8x128xf32>
      %sub3A_160 = arith.subf %select_n3A_141, %sub3A_159 : vector<8x128xf32>
      %mul3A_161 = arith.mulf %sub3A_153, %sub3A_159 : vector<8x128xf32>
      %sub3A_162 = arith.subf %mul3A_161, %mul3A_148 : vector<8x128xf32>
      %mul3A_163 = arith.mulf %sub3A_153, %sub3A_160 : vector<8x128xf32>
      %add3A_164 = arith.addf %sub3A_162, %mul3A_163 : vector<8x128xf32>
      %mul3A_165 = arith.mulf %sub3A_154, %sub3A_159 : vector<8x128xf32>
      %add3A_166 = arith.addf %add3A_164, %mul3A_165 : vector<8x128xf32>
      %mul3A_167 = arith.mulf %sub3A_154, %sub3A_160 : vector<8x128xf32>
      %add3A_168 = arith.addf %add3A_166, %mul3A_167 : vector<8x128xf32>
      %mul3A_169 = arith.mulf %select_n3A_129, %select_n3A_147 : vector<8x128xf32>
      %mul3A_170 = arith.mulf %select_n3A_135, %select_n3A_141 : vector<8x128xf32>
      %add3A_171 = arith.addf %mul3A_169, %mul3A_170 : vector<8x128xf32>
      %add3A_172 = arith.addf %add3A_168, %add3A_171 : vector<8x128xf32>
      %add3A_173 = arith.addf %mul3A_148, %add3A_172 : vector<8x128xf32>
      %sub3A_174 = arith.subf %add3A_173, %mul3A_148 : vector<8x128xf32>
      %sub3A_175 = arith.subf %add3A_172, %sub3A_174 : vector<8x128xf32>
      %jit3A_176 = arith.constant 0.000000e+00 : f32
      %broadcast_in_dim3A_177 = vector.broadcast %jit3A_176 : f32 to vector<8x128xf32>
      %select_n3A_178 = arith.select %eq3A_99, %add3A_53, %broadcast_in_dim3A_177 : vector<8x128xi1>, vector<8x128xf32>
      %reduce_sum3A_179 = vector.shape_cast %select_n3A_178 : vector<8x128xf32> to vector<1x8x128xf32>
      %reduce_sum3A_180 = arith.constant dense<0.000000e+00> : vector<1xf32>
      %reduce_sum3A_181 = vector.multi_reduction <add>, %reduce_sum3A_179, %reduce_sum3A_180 [1, 2] : vector<1x8x128xf32> to vector<1xf32>
      %reduce_sum3A_182 = vector.shape_cast %reduce_sum3A_181 : vector<1xf32> to vector<1x1x1xf32>
      %reduce_sum3A_183 = vector.extract %reduce_sum3A_182[0, 0, 0] : f32 from vector<1x1x1xf32>
      %jit3A_184 = arith.constant 0.000000e+00 : f32
      %broadcast_in_dim3A_185 = vector.broadcast %jit3A_184 : f32 to vector<8x128xf32>
      %select_n3A_186 = arith.select %eq3A_99, %sub3A_55, %broadcast_in_dim3A_185 : vector<8x128xi1>, vector<8x128xf32>
      %reduce_sum3A_187 = vector.shape_cast %select_n3A_186 : vector<8x128xf32> to vector<1x8x128xf32>
      %reduce_sum3A_188 = arith.constant dense<0.000000e+00> : vector<1xf32>
      %reduce_sum3A_189 = vector.multi_reduction <add>, %reduce_sum3A_187, %reduce_sum3A_188 [1, 2] : vector<1x8x128xf32> to vector<1xf32>
      %reduce_sum3A_190 = vector.shape_cast %reduce_sum3A_189 : vector<1xf32> to vector<1x1x1xf32>
      %reduce_sum3A_191 = vector.extract %reduce_sum3A_190[0, 0, 0] : f32 from vector<1x1x1xf32>
      %add3A_192 = vector.broadcast %reduce_sum3A_183 : f32 to vector<8x128xf32>
      %add3A_193 = arith.addf %add3A_192, %add3A_53 : vector<8x128xf32>
      %sub3A_194 = vector.broadcast %reduce_sum3A_183 : f32 to vector<8x128xf32>
      %sub3A_195 = arith.subf %add3A_193, %sub3A_194 : vector<8x128xf32>
      %sub3A_196 = arith.subf %add3A_193, %sub3A_195 : vector<8x128xf32>
      %sub3A_197 = vector.broadcast %reduce_sum3A_183 : f32 to vector<8x128xf32>
      %sub3A_198 = arith.subf %sub3A_197, %sub3A_196 : vector<8x128xf32>
      %sub3A_199 = arith.subf %add3A_53, %sub3A_195 : vector<8x128xf32>
      %add3A_200 = arith.addf %sub3A_198, %sub3A_199 : vector<8x128xf32>
      %add3A_201 = vector.broadcast %reduce_sum3A_191 : f32 to vector<8x128xf32>
      %add3A_202 = arith.addf %add3A_201, %sub3A_55 : vector<8x128xf32>
      %add3A_203 = arith.addf %add3A_200, %add3A_202 : vector<8x128xf32>
      %add3A_204 = arith.addf %add3A_193, %add3A_203 : vector<8x128xf32>
      %sub3A_205 = arith.subf %add3A_204, %add3A_193 : vector<8x128xf32>
      %sub3A_206 = arith.subf %add3A_203, %sub3A_205 : vector<8x128xf32>
      %neg3A = arith.constant 0.000000e+00 : f32
      %neg3A_207 = vector.broadcast %neg3A : f32 to vector<8x128xf32>
      %neg3A_208 = arith.subf %neg3A_207, %add3A_173 : vector<8x128xf32>
      %neg3A_209 = arith.constant 0.000000e+00 : f32
      %neg3A_210 = vector.broadcast %neg3A_209 : f32 to vector<8x128xf32>
      %neg3A_211 = arith.subf %neg3A_210, %sub3A_175 : vector<8x128xf32>
      %add3A_212 = arith.addf %add3A_204, %neg3A_208 : vector<8x128xf32>
      %sub3A_213 = arith.subf %add3A_212, %add3A_204 : vector<8x128xf32>
      %sub3A_214 = arith.subf %add3A_212, %sub3A_213 : vector<8x128xf32>
      %sub3A_215 = arith.subf %add3A_204, %sub3A_214 : vector<8x128xf32>
      %sub3A_216 = arith.subf %neg3A_208, %sub3A_213 : vector<8x128xf32>
      %add3A_217 = arith.addf %sub3A_215, %sub3A_216 : vector<8x128xf32>
      %add3A_218 = arith.addf %sub3A_206, %neg3A_211 : vector<8x128xf32>
      %add3A_219 = arith.addf %add3A_217, %add3A_218 : vector<8x128xf32>
      %add3A_220 = arith.addf %add3A_212, %add3A_219 : vector<8x128xf32>
      %sub3A_221 = arith.subf %add3A_220, %add3A_212 : vector<8x128xf32>
      %sub3A_222 = arith.subf %add3A_219, %sub3A_221 : vector<8x128xf32>
      %add3A_223 = vector.broadcast %scan3A : f32 to vector<8x128xf32>
      %add3A_224 = arith.addf %add3A_220, %add3A_223 : vector<8x128xf32>
      %sub3A_225 = arith.subf %add3A_224, %add3A_220 : vector<8x128xf32>
      %sub3A_226 = arith.subf %add3A_224, %sub3A_225 : vector<8x128xf32>
      %sub3A_227 = arith.subf %add3A_220, %sub3A_226 : vector<8x128xf32>
      %sub3A_228 = vector.broadcast %scan3A : f32 to vector<8x128xf32>
      %sub3A_229 = arith.subf %sub3A_228, %sub3A_225 : vector<8x128xf32>
      %add3A_230 = arith.addf %sub3A_227, %sub3A_229 : vector<8x128xf32>
      %add3A_231 = vector.broadcast %scan3A_72 : f32 to vector<8x128xf32>
      %add3A_232 = arith.addf %sub3A_222, %add3A_231 : vector<8x128xf32>
      %add3A_233 = arith.addf %add3A_230, %add3A_232 : vector<8x128xf32>
      %add3A_234 = arith.addf %add3A_224, %add3A_233 : vector<8x128xf32>
      %sub3A_235 = arith.subf %add3A_234, %add3A_224 : vector<8x128xf32>
      %sub3A_236 = arith.subf %add3A_233, %sub3A_235 : vector<8x128xf32>
      %mul3A_237 = vector.broadcast %scan3A_73 : f32 to vector<8x128xf32>
      %mul3A_238 = arith.mulf %add3A_234, %mul3A_237 : vector<8x128xf32>
      %mul3A_239 = arith.constant 4.097000e+03 : f32
      %mul3A_240 = vector.broadcast %mul3A_239 : f32 to vector<8x128xf32>
      %mul3A_241 = arith.mulf %mul3A_240, %add3A_234 : vector<8x128xf32>
      %sub3A_242 = arith.subf %mul3A_241, %add3A_234 : vector<8x128xf32>
      %sub3A_243 = arith.subf %mul3A_241, %sub3A_242 : vector<8x128xf32>
      %sub3A_244 = arith.subf %add3A_234, %sub3A_243 : vector<8x128xf32>
      %mul3A_245 = arith.constant 4.097000e+03 : f32
      %mul3A_246 = arith.mulf %mul3A_245, %scan3A_73 : f32
      %sub3A_247 = arith.subf %mul3A_246, %scan3A_73 : f32
      %sub3A_248 = arith.subf %mul3A_246, %sub3A_247 : f32
      %sub3A_249 = arith.subf %scan3A_73, %sub3A_248 : f32
      %mul3A_250 = vector.broadcast %sub3A_248 : f32 to vector<8x128xf32>
      %mul3A_251 = arith.mulf %sub3A_243, %mul3A_250 : vector<8x128xf32>
      %sub3A_252 = arith.subf %mul3A_251, %mul3A_238 : vector<8x128xf32>
      %mul3A_253 = vector.broadcast %sub3A_249 : f32 to vector<8x128xf32>
      %mul3A_254 = arith.mulf %sub3A_243, %mul3A_253 : vector<8x128xf32>
      %add3A_255 = arith.addf %sub3A_252, %mul3A_254 : vector<8x128xf32>
      %mul3A_256 = vector.broadcast %sub3A_248 : f32 to vector<8x128xf32>
      %mul3A_257 = arith.mulf %sub3A_244, %mul3A_256 : vector<8x128xf32>
      %add3A_258 = arith.addf %add3A_255, %mul3A_257 : vector<8x128xf32>
      %mul3A_259 = vector.broadcast %sub3A_249 : f32 to vector<8x128xf32>
      %mul3A_260 = arith.mulf %sub3A_244, %mul3A_259 : vector<8x128xf32>
      %add3A_261 = arith.addf %add3A_258, %mul3A_260 : vector<8x128xf32>
      %mul3A_262 = vector.broadcast %scan3A_74 : f32 to vector<8x128xf32>
      %mul3A_263 = arith.mulf %add3A_234, %mul3A_262 : vector<8x128xf32>
      %mul3A_264 = vector.broadcast %scan3A_73 : f32 to vector<8x128xf32>
      %mul3A_265 = arith.mulf %sub3A_236, %mul3A_264 : vector<8x128xf32>
      %add3A_266 = arith.addf %mul3A_263, %mul3A_265 : vector<8x128xf32>
      %add3A_267 = arith.addf %add3A_261, %add3A_266 : vector<8x128xf32>
      %add3A_268 = arith.addf %mul3A_238, %add3A_267 : vector<8x128xf32>
      %sub3A_269 = arith.subf %add3A_268, %mul3A_238 : vector<8x128xf32>
      %sub3A_270 = arith.subf %add3A_267, %sub3A_269 : vector<8x128xf32>
      %neg3A_271 = arith.constant 0.000000e+00 : f32
      %neg3A_272 = vector.broadcast %neg3A_271 : f32 to vector<8x128xf32>
      %neg3A_273 = arith.subf %neg3A_272, %add3A_268 : vector<8x128xf32>
      %neg3A_274 = arith.constant 0.000000e+00 : f32
      %neg3A_275 = vector.broadcast %neg3A_274 : f32 to vector<8x128xf32>
      %neg3A_276 = arith.subf %neg3A_275, %sub3A_270 : vector<8x128xf32>
      %add3A_277 = arith.addf %add3A_173, %neg3A_273 : vector<8x128xf32>
      %sub3A_278 = arith.subf %add3A_277, %add3A_173 : vector<8x128xf32>
      %sub3A_279 = arith.subf %add3A_277, %sub3A_278 : vector<8x128xf32>
      %sub3A_280 = arith.subf %add3A_173, %sub3A_279 : vector<8x128xf32>
      %sub3A_281 = arith.subf %neg3A_273, %sub3A_278 : vector<8x128xf32>
      %add3A_282 = arith.addf %sub3A_280, %sub3A_281 : vector<8x128xf32>
      %add3A_283 = arith.addf %sub3A_175, %neg3A_276 : vector<8x128xf32>
      %add3A_284 = arith.addf %add3A_282, %add3A_283 : vector<8x128xf32>
      %add3A_285 = arith.addf %add3A_277, %add3A_284 : vector<8x128xf32>
      %gt3A_286 = arith.constant 0.000000e+00 : f32
      %gt3A_287 = vector.broadcast %gt3A_286 : f32 to vector<8x128xf32>
      %gt3A_288 = arith.cmpf ogt, %add3A_285, %gt3A_287 : vector<8x128xf32>
      %jit3A_289 = arith.constant 1.000000e+00 : f32
      %jit3A_290 = arith.constant 0.000000e+00 : f32
      %broadcast_in_dim3A_291 = vector.broadcast %jit3A_289 : f32 to vector<8x128xf32>
      %broadcast_in_dim3A_292 = vector.broadcast %jit3A_290 : f32 to vector<8x128xf32>
      %select_n3A_293 = arith.select %gt3A_288, %broadcast_in_dim3A_291, %broadcast_in_dim3A_292 : vector<8x128xi1>, vector<8x128xf32>
      %max3A_294 = arith.maximumf %get3A_98, %select_n3A_293 : vector<8x128xf32>
      %select_n3A_295 = arith.select %eq3A_106, %max3A_294, %get3A_98 : vector<8x128xf32>
      %swap3A_296 = arith.constant 0 : index
      %swap3A_297 = arith.constant 0 : index
      %swap3A_298 = vector.load %arg11[%swap3A_296, %swap3A_297] : memref<8x128xf32, #tpu.memory_space<vmem>>, vector<8x128xf32>
      tpu.vector_store %arg11[%swap3A_296, %swap3A_297], %select_n3A_295 {strides = array<i32>} : memref<8x128xf32, #tpu.memory_space<vmem>>, vector<8x128xf32>,
      %jit3A_299 = arith.constant 1.000000e+00 : f32
      %jit3A_300 = arith.constant 0.000000e+00 : f32
      %select_n3A_301 = arith.select %eq3A_106, %jit3A_299, %jit3A_300 : f32
      %eq3A_302 = vector.broadcast %scan3A_80 : i32 to vector<8x128xi32>
      %eq3A_303 = arith.cmpi eq, %add3A_60, %eq3A_302 : vector<8x128xi32>
      %get3A_304 = arith.constant 0 : index
      %get3A_305 = arith.constant 0 : index
      %get3A_306 = arith.constant 0 : index
      %get3A_307 = vector.load %arg10[%get3A_304, %get3A_305, %get3A_306] : memref<1x8x128xf32, #tpu.memory_space<vmem>>, vector<1x8x128xf32>
      %get3A_308 = vector.shape_cast %get3A_307 : vector<1x8x128xf32> to vector<8x128xf32>
      %broadcast_in_dim3A_309 = vector.broadcast %select_n3A_301 : f32 to vector<8x128xf32>
      %select_n3A_310 = arith.select %eq3A_303, %broadcast_in_dim3A_309, %get3A_308 : vector<8x128xi1>, vector<8x128xf32>
      %swap3A_311 = arith.constant 0 : index
      %swap3A_312 = arith.constant 0 : index
      %swap3A_313 = arith.constant 0 : index
      %swap3A_314 = vector.load %arg10[%swap3A_311, %swap3A_312, %swap3A_313] : memref<1x8x128xf32, #tpu.memory_space<vmem>>, vector<1x8x128xf32>
      %swap3A_315 = vector.shape_cast %swap3A_314 : vector<1x8x128xf32> to vector<8x128xf32>
      %swap3A_316 = vector.shape_cast %select_n3A_310 : vector<8x128xf32> to vector<1x8x128xf32>
      tpu.vector_store %arg10[%swap3A_311, %swap3A_312, %swap3A_313], %swap3A_316 {strides = array<i32>} : memref<1x8x128xf32, #tpu.memory_space<vmem>>, vector<1x8x128xf32>,
    }
    %scan3A_79 = arith.constant 1000 : i32
    return
  }
  func.func @transform_0(%arg0: i32) -> (i32, i32, i32) {
    %c0_i32 = arith.constant 0 : i32
    %c0_i32_0 = arith.constant 0 : i32
    %c0_i32_1 = arith.constant 0 : i32
    return %arg0, %c0_i32, %c0_i32_0 : i32, i32, i32
  }
  func.func @transform_1(%arg0: i32) -> (i32, i32, i32) {
    %c0_i32 = arith.constant 0 : i32
    %c0_i32_0 = arith.constant 0 : i32
    %c0_i32_1 = arith.constant 0 : i32
    return %arg0, %c0_i32, %c0_i32_0 : i32, i32, i32
  }
  func.func @transform_2(%arg0: i32) -> (i32, i32, i32) {
    %c0_i32 = arith.constant 0 : i32
    %c0_i32_0 = arith.constant 0 : i32
    %c0_i32_1 = arith.constant 0 : i32
    return %arg0, %c0_i32, %c0_i32_0 : i32, i32, i32
  }
  func.func @transform_3(%arg0: i32) -> (i32, i32, i32) {
    %c0_i32 = arith.constant 0 : i32
    %c0_i32_0 = arith.constant 0 : i32
    %c0_i32_1 = arith.constant 0 : i32
    return %arg0, %c0_i32, %c0_i32_0 : i32, i32, i32
  }
  func.func @transform_4(%arg0: i32) -> (i32, i32) {
    %c0_i32 = arith.constant 0 : i32
    %c0_i32_0 = arith.constant 0 : i32
    %c0_i32_1 = arith.constant 0 : i32
    return %c0_i32, %c0_i32_0 : i32, i32
  }
  func.func @transform_5(%arg0: i32) -> (i32, i32) {
    %c0_i32 = arith.constant 0 : i32
    %c0_i32_0 = arith.constant 0 : i32
    %c0_i32_1 = arith.constant 0 : i32
    return %c0_i32, %c0_i32_0 : i32, i32
  }
  func.func @transform_6(%arg0: i32) -> (i32, i32) {
    %c0_i32 = arith.constant 0 : i32
    %c0_i32_0 = arith.constant 0 : i32
    %c0_i32_1 = arith.constant 0 : i32
    return %c0_i32, %c0_i32_0 : i32, i32
  }
  func.func @transform_7(%arg0: i32) -> (i32, i32) {
    %c0_i32 = arith.constant 0 : i32
    %c0_i32_0 = arith.constant 0 : i32
    %c0_i32_1 = arith.constant 0 : i32
    return %c0_i32, %c0_i32_0 : i32, i32
  }
  func.func @transform_8(%arg0: i32) -> (i32, i32) {
    %c0_i32 = arith.constant 0 : i32
    %c0_i32_0 = arith.constant 0 : i32
    %c0_i32_1 = arith.constant 0 : i32
    return %c0_i32, %c0_i32_0 : i32, i32
  }
  func.func @transform_9(%arg0: i32) -> (i32, i32, i32) {
    %c0_i32 = arith.constant 0 : i32
    %c0_i32_0 = arith.constant 0 : i32
    %c0_i32_1 = arith.constant 0 : i32
    return %arg0, %c0_i32, %c0_i32_0 : i32, i32, i32
  }
}

</mosaic_0001>

<sc_bundles>
// kernel: gather_offload_async_start.1
scs
__scs_entry_jumppad:
0x0: {  	(pc) =	sbr.rel $0x88, $3  }
0x1: {  	(tag) =	ssettag $0x0;
	lr =	simm.s32 $0x1  }
0x2: {  	[smem:$0x3F9A] =	sst lr;
	_ =	strace $0xD0000000  }
0x3: {  	_ = 	snop  }
0x4: {  	_ = 	snop  }
0x5: {  	_ = 	snop  }
0x6: {  	_ = 	snop  }
0x7: {  	_ = 	snop  }
__scs_overlays_trampoline_lowered:
0x8: {  	[smem:$0x3FA9] =	sst s0  }
0x9: {  	[smem:$0x3FAA] =	sst s1  }
0xa: {  	[smem:$0x3FAB] =	sst s2  }
0xb: {  	[smem:$0x3FAC] =	sst s3  }
0xc: {  	[smem:$0x3FAD] =	sst s4  }
0xd: {  	[smem:$0x3FAE] =	sst s5  }
0xe: {  	[smem:$0x3FAF] =	sst s6  }
0xf: {  	[smem:$0x3FB0] =	sst s7  }
0x10: {  	[smem:$0x3FB1] =	sst s8  }
0x11: {  	[smem:$0x3FB2] =	sst s9;
	s0 =	simm.s32 @!p0 $0x0  }
0x12: {  	s1 =	sld [smem:$0x3F98];
	s0 =	simm.s32 @p0 $0x1  }
0x13: {  	[smem:$0x3FB3] =	sst s0;
	s0 =	simm.s32 @!p1 $0x0  }
0x14: {  	s2 =	sld [smem:$0x3F97];
	s0 =	simm.s32 @p1 $0x1  }
0x15: {  	[smem:$0x3FB4] =	sst s0;
	s0 =	simm.s32 @!p2 $0x0  }
0x16: {  	s3 =	sld [smem:$0x3FDB];
	s0 =	simm.s32 @p2 $0x1  }
0x17: {  	s4 =	simm.s32 $0x1BF5;
	[smem:$0x3FB6] =	sst s0  }
0x18: {  	s0 =	sld [smem:$0x3F99];
	_ =	swait.ge [sflag:s4], $0x0  }
0x19: {  	s7 =	sld [smem:$0x3F9A]  }
0x1a: {  	s8 =	sadd.s32 $0xFFFFE003, lr  }
0x1b: {  	s9 =	sadd.s32 $0xFFFFFEF7, lr;
	s5 =	simm.s32 $0xFFFFFFFF;
	p2 =	slt.u32 s8, $0xFFFFF086  }
0x1c: {  	p1 =	slt.u32 s9, $0xF7A;
	s5 =	simm.s32 @!p2 $0x0  }
0x1d: {  	s5 =	simm.s32 @p1 $0x1;
	p0 =	seq.s32 s7, s2  }
0x1e: {  	s7 =	smul.u32 @!p0 $0xF7A, s2;
	p2 =	seq.s32 @!p0 s5, $0x0  }
0x1f: {  	s9 =	smul.u32 $0xF7A, s1;
	s8 =	simm.s32 @!p0 $0x1BF5;
	p2 =	por !p2, p0  }
0x20: {  	[sflag:s8] =	ssyncset.s32 @!p0 $0xFFFFF086;
	s6 =	sadd.s32 @!p0 s3, s7;
	s7 =	simm.s32 @!p0 $0x108  }
0x21: {  	s3 =	sadd.s32 s3, s9;
	s6 =	sadd.s32 @!p0 $0x88, s6;
	s7 =	simm.s32 @p2 $0x1082  }
0x22: {  	[simem:s7], [sflag:s8] =	dma.local @!p0 [hbm:s6], $0xF7A  }
0x23: {  	s9 =	sor.u32 $0xD0000000, s2;
	s6 =	simm.s32 $0x108;
	_ =	swait.ge @!p0 [sflag:s8], $0x0  }
0x24: {  	s3 =	sadd.s32 $0x88, s3;
	s6 =	simm.s32 @!p1 $0x1082;
	[sflag:s4] =	ssyncset.s32 $0xFFFFF086  }
0x25: {  	[simem:s6], [sflag:s4] =	dma.local [hbm:s3], $0xF7A  }
0x26: {  	[smem:$0x3F9A] =	sst s1;
	(tag) =	ssettag s2;
	_ =	strace s9  }
0x27: {  	s1 =	sld [smem:$0x3FAA]  }
0x28: {  	s2 =	sld [smem:$0x3FAB]  }
0x29: {  	s4 =	sld [smem:$0x3FAD]  }
0x2a: {  	p0 =	seq.s32 s5, $0x0;
	s5 =	sld [smem:$0x3FAE]  }
0x2b: {  	s6 =	sld [smem:$0x3FAF]  }
0x2c: {  	s7 =	sld [smem:$0x3FB0]  }
0x2d: {  	s3 =	simm.s32 $0x108;
	s8 =	sld [smem:$0x3FB1]  }
0x2e: {  	s3 =	simm.s32 @!p0 $0x1082;
	s9 =	sld [smem:$0x3FB2]  }
0x2f: {  	lr =	sadd.s32 s0, s3;
	s0 =	sld [smem:$0x3FA9]  }
0x30: {  	s3 =	sld [smem:$0x3FAC]  }
0x31: {  	[smem:$0x3FB5] =	sst s10  }
0x32: {  	s10 =	sld [smem:$0x3FB3];
	_ =	sdelay $0x3  }
0x33: {  	p0 =	seq.s32 s10, $0x1;
	s10 =	sld [smem:$0x3FB5];
	_ =	sdelay $0x3  }
0x34: {  	[smem:$0x3FB5] =	sst s10  }
0x35: {  	s10 =	sld [smem:$0x3FB4];
	_ =	sdelay $0x3  }
0x36: {  	p1 =	seq.s32 s10, $0x1;
	s10 =	sld [smem:$0x3FB5];
	_ =	sdelay $0x3  }
0x37: {  	[smem:$0x3FB5] =	sst s10  }
0x38: {  	s10 =	sld [smem:$0x3FB6]  }
0x39: {  	_ = 	snop;
	(pc) =	sbr.ind lr, $3  }
0x3a: {  	_ = 	snop  }
0x3b: {  	_ = 	snop  }
0x3c: {  	p2 =	seq.s32 s10, $0x1;
	s10 =	sld [smem:$0x3FB5]  }
0x3d: {  	_ =	shalt  }
0x3e: {  	_ =	shalt  }
0x3f: {  	_ =	shalt  }
0x40: {  	_ =	shalt  }
0x41: {  	_ =	shalt  }
0x42: {  	_ =	shalt  }
0x43: {  	_ =	shalt  }
0x44: {  	_ =	shalt  }
0x45: {  	_ =	shalt  }
0x46: {  	_ =	shalt  }
0x47: {  	_ =	shalt  }
0x48: {  	_ =	shalt  }
0x49: {  	_ =	shalt  }
0x4a: {  	_ =	shalt  }
0x4b: {  	_ =	shalt  }
0x4c: {  	_ =	shalt  }
0x4d: {  	_ =	shalt  }
0x4e: {  	_ =	shalt  }
0x4f: {  	_ =	shalt  }
0x50: {  	_ =	shalt  }
0x51: {  	_ =	shalt  }
0x52: {  	_ =	shalt  }
0x53: {  	_ =	shalt  }
0x54: {  	_ =	shalt  }
0x55: {  	_ =	shalt  }
0x56: {  	_ =	shalt  }
0x57: {  	_ =	shalt  }
0x58: {  	_ =	shalt  }
0x59: {  	_ =	shalt  }
0x5a: {  	_ =	shalt  }
0x5b: {  	_ =	shalt  }
0x5c: {  	_ =	shalt  }
0x5d: {  	_ =	shalt  }
0x5e: {  	_ =	shalt  }
0x5f: {  	_ =	shalt  }
0x60: {  	_ =	shalt  }
0x61: {  	_ =	shalt  }
0x62: {  	_ =	shalt  }
0x63: {  	_ =	shalt  }
0x64: {  	_ =	shalt  }
0x65: {  	_ =	shalt  }
0x66: {  	_ =	shalt  }
0x67: {  	_ =	shalt  }
0x68: {  	_ =	shalt  }
0x69: {  	_ =	shalt  }
0x6a: {  	_ =	shalt  }
0x6b: {  	_ =	shalt  }
0x6c: {  	_ =	shalt  }
0x6d: {  	_ =	shalt  }
0x6e: {  	_ =	shalt  }
0x6f: {  	_ =	shalt  }
0x70: {  	_ =	shalt  }
0x71: {  	_ =	shalt  }
0x72: {  	_ =	shalt  }
0x73: {  	_ =	shalt  }
0x74: {  	_ =	shalt  }
0x75: {  	_ =	shalt  }
0x76: {  	_ =	shalt  }
0x77: {  	_ =	shalt  }
0x78: {  	_ =	shalt  }
0x79: {  	_ =	shalt  }
0x7a: {  	_ =	shalt  }
0x7b: {  	_ =	shalt  }
0x7c: {  	_ =	shalt  }
0x7d: {  	_ =	shalt  }
0x7e: {  	_ =	shalt  }
0x7f: {  	_ =	shalt  }
0x80: {  	_ =	shalt  }
0x81: {  	_ =	shalt  }
0x82: {  	_ =	shalt  }
0x83: {  	_ =	shalt  }
0x84: {  	_ =	shalt  }
0x85: {  	_ =	shalt  }
0x86: {  	_ =	shalt  }
0x87: {  	_ =	shalt  }
.Lfunc_end0:
.L_simem_size_0:
called_computation.1_lowered:
.L_overlay_start_0:
0x88: {  	s0 =	sld [smem:$0x3FD9]  }
0x89: {  	s1 =	sld [smem:$0x3FFE];
	_ =	sdelay $0x3  }
0x8a: {  	s0 =	sadd.s32 s1, s0  }
0x8b: {  	[smem:$0x3FC1] =	sst s0  }
0x8c: {  	_ = 	snop  }
0x8d: {  	s0 =	sld [smem:$0x3FD0];
	(tm) =	ssettm $0x1  }
0x8e: {  	s16 =	sld [smem:$0x3FFB];
	_ =	sdelay $0x3  }
0x8f: {  	_ =	strace s16  }
0x90: {  	s1 =	sld [smem:$0x3FFC];
	_ =	sdelay $0x3  }
0x91: {  	_ =	strace s1  }
0x92: {  	s1 =	sld [smem:$0x3FFD];
	_ =	sdelay $0x3  }
0x93: {  	_ =	strace s1  }
0x94: {  	_ =	strace $0x8FFFFFFF  }
0x95: {  	s17 =	sld [smem:$0x3FDB];
	_ =	sdelay $0x1  }
0x96: {  	s2 =	simm.s32 $_scs_section_size  }
0x97: {  	s3 =	simm.s32 $_size__tile_overlayer_lowered;
	s4 =	simm.s32 $_tile_overlayer_lowered  }
0x98: {  	s20 =	simm.s32 $0x1BFF;
	s19 =	sshll.u32 s4, $0x1;
	s1 =	sadd.s32 s2, s17  }
0x99: {  	s5 =	simm.s32 $0x0;
	s18 =	sshll.u32 s3, $0x1;
	s3 =	sadd.s32 s19, s1  }
0x9a: {  	[timem:s5], [sflag:s20] =	dma.local [hbm:s3], s18  }
0x9b: {  	_ =	swait.ge [sflag:s20], s18  }
0x9c: {  	s2 =	ssub.s32 $0x0, s18;
	[sflag:s20] =	ssyncset.done $0x0  }
0x9d: {  	[sflag:s20] =	ssyncadd.s32 s2;
	_ =	sdelay $0x1  }
0x9e: {  	s21 =	simm.s32 $0x1B8B  }
0x9f: {  	_ =	swait.ge [sflag:s21], $0x1  }
0xa0: {  	[sflag:s21] =	ssyncset.done $0x0  }
0xa1: {  	s23 =	simm.s32 $0x1B8E;
	s22 =	sld [smem:$0x3FFE];
	[sflag:s21] =	ssyncadd.s32 $0xFFFFFFFF  }
0xa2: {  	s24 =	simm.s32 $execute0_lowered;
	[smem:$0x3FD2] =	sst s23  }
0xa3: {  	s3 =	sshll.u32 s24, $0x1;
	_ =	strace $0x80000049;
	[dreg:$0x1] =	wrdreg $0xFFFFFFFF  }
0xa4: {  	s25 =	simm.s32 $_size_execute0_lowered;
	s1 =	sadd.s32 s1, s3;
	[dreg:$0x0] =	wrdreg $0x0  }
0xa5: {  	s3 =	sshll.u32 s25, $0x1;
	[dreg:$0x2] =	wrdreg s1  }
0xa6: {  	[dreg:$0x3] =	wrdreg s3  }
0xa7: {  	[dreg:$0x4] =	wrdreg $0xC0  }
0xa8: {  	_ =	task [dreg:s5], $0x5FFFF  }
0xa9: {  	[dreg:$0x1] =	wrdreg $0xFFFFFFFF  }
0xaa: {  	[dreg:$0x0] =	wrdreg $0x60  }
0xab: {  	[dreg:$0x2] =	wrdreg s0  }
0xac: {  	[dreg:$0x3] =	wrdreg s22  }
0xad: {  	[dreg:$0x4] =	wrdreg $0x9  }
0xae: {  	_ =	task.clear_ibuf [dreg:s5], $0x5FFFF;
	_ =	strace $0x90000049  }
0xaf: {  	s26 =	simm.s32 $0x9;
	_ =	strace $0x8000004B  }
0xb0: {  	_ =	swait.ge [sflag:s26], $0x1  }
0xb1: {  	[sflag:s26] =	ssyncadd.s32 $0xFFFFFFFF  }
0xb2: {  	_ =	strace $0x9000004B  }
0xb3: {  	_ =	sfence  }
0xb4: {  	s28 =	sld [smem:$0x0];
	_ =	sdelay $0x1  }
0xb5: {  	s29 =	srdreg.scid  }
0xb6: {  	s30 =	sshll.u32 s29, $0xD;
	s31 =	sshrl.u32 s29, $0x2  }
0xb7: {  	s2 =	sand.u32 $0x4000, s30;
	s1 =	sand.u32 $0x1, s29;
	s0 =	sadd.s32 s31, s28  }
0xb8: {  	s1 =	sor.u32 s2, s1;
	s0 =	sshll.u32 s0, $0x11  }
0xb9: {  	s0 =	sor.u32 s0, s1  }
0xba: {  	s0 =	sadd.s32 $0x8F2B, s0  }
0xbb: {  	[sflag:s0] =	ssyncadd.remote.s32 $0x1  }
0xbc: {  	_ =	sfence.sel $0xFFFF  }
0xbd: {  	[dreg:$0x0] =	wrdreg $0xFFFFFFFF;
	(pc) =	sbr.abs _section_cstart, $3  }
0xbe: {  	[dreg:$0x1] =	wrdreg $0xFFFFFFFF  }
0xbf: {  	_ =	task.clear_ibuf [dreg:s5], $0x2FFFF;
	_ =	strace $0x9FFFFFFF  }
0xc0: {  	(tm) =	ssettm $0x7FFFFFFF  }
0xc1: {  	_ =	shalt  }
tec
execute0_lowered:
.L_overlay_start_1:
0x0: {  	(tag) =	ssettag $0x1  }
0x1: {  	s2 =	rddreg [dreg:$0x0]  }
0x2: {  	s3 =	rddreg [dreg:$0x1]  }
0x3: {  	s0 =	rddreg [dreg:$0x2];
	s1 =	stileid.u32;
	_ =	strace $0x8000004A  }
0x4: {  	s5 =	simm.s32 $0x1;
	s6 =	simm.s32 $0x500;
	s8 =	simm.s32 $0x1  }
0x5: {  	s9 =	simm.s32 $0x3;
	s10 =	simm.s32 $0x0;
	s4 =	smul.u32 $0x50, s1  }
0x6: {  	s13 =	simm.s32 $0x0;
	s12 =	simm.s32 $0x0;
	p0 =	slt.u32 s1, $0xA  }
.Ltmp0:
0x7: {  	s6 =	simm.s32 @!p0 $0x0;
	s7 =	ssub.s32 $0x7D0, s4;
	(pc) =	sbr.rel .LBB2_1-.Ltmp0, $4  }
0x8: {  	s8 =	simm.s32 @!p0 $0x0;
	p0 =	sne.s32 s7, s6;
	s7 =	simm.s32 $0x1  }
0x9: {  	[sflag:s5] =	ssyncpa.u1 $0x0;
	s6 =	simm.s32 $0x2;
	s7 =	simm.s32 @!p0 $0x0  }
0xa: {  	s11 =	smov.u32 s4;
	[sflag:s6] =	ssyncpa.u1 $0x0;
	s7 =	sadd.s32 s8, s7  }
0xb: {  	vm0 =	vmmov $0xffff;
	s8 =	sadd.s32 $0x200, s3;
	[sflag:s9] =	ssyncpa.u1 $0x0;
	s9 =	sadd.s32 $0x1, s7  }
.LBB2_4:
0xc: {  	v5 =	vld.msk [tilespmem:s18+$0x0 ss:$0x1], $0xffff  }
0xd: {  	v6 =	vand.u32 $0x1, v1;
	v7 =	vshrl.u32 v1, $0x1  }
0xe: {  	v3 =	vor.u32 v4, v3;
	vm1 =	veq.s32 v1, $0x80000000;
	v53 =	vand.u32 $0x3FF, v7  }
0xf: {  	v2 =	vor.u32 v2, v3;
	v54 =	vsel vm1, $0xFFFFFFFF, v6;
	v1 =	vsel vm1, $0xFFFFFFFF, v53  }
0x10: {  	v6 =	vshll.u32 v54, $0x7;
	v3 =	vand.u32 $0xFFFFF800, v54;
	v55 =	vand.u32 $0x7F, v1  }
0x11: {  	v1 =	vshll.u32 v1, $0x1;
	v6 =	vand.u32 $0x80, v6;
	v56 =	vshrl.u32 v5, $0x1  }
0x12: {  	v1 =	vand.u32 $0xFFFFFF00, v1;
	vm1 =	veq.s32 v5, $0x80000000;
	v57 =	vand.u32 $0x3FF, v56  }
0x13: {  	v1 =	vadd.s32 v3, v1;
	v5 =	vand.u32 $0x1, v5;
	v3 =	vsel vm1, $0xFFFFFFFF, v57  }
0x14: {  	v1 =	vor.u32 v6, v1;
	v5 =	vsel vm1, $0xFFFFFFFF, v5;
	v58 =	vshll.u32 v3, $0x1  }
0x15: {  	v59 =	vshll.u32 v5, $0x7;
	v5 =	vand.u32 $0xFFFFF800, v5;
	v6 =	vand.u32 $0xFFFFFF00, v58  }
0x16: {  	v1 =	vor.u32 v55, v1;
	v61 =	vand.u32 $0x80, v59;
	v60 =	vadd.s32 v5, v6  }
0x17: {  	[tilespmem:s16], [sflag:$0x1] =	stream.indirect_vreg.gather [hbm4b:s2+s10], $0x1, v0, vm0, $0x4038;
	v62 =	vand.u32 $0x7F, v3;
	v63 =	vor.u32 v61, v60;
	[tilespmem:$0x140] =	vst v63  }
0x18: {  	(ifvalue) =	ssetifvalue $0x7FFFFFFF;
	v0 =	vor.u32 v62, v63  }
0x19: {  	[tilespmem:s15], [sflag:$0x1] =	stream.indirect_vreg.gather [hbm4b:s2+s10], $0x1, v2, vm0, $0x4038;
	[tilespmem:$0x140] =	vst v63  }
0x1a: {  	s29 =	sadd.s32 $0x10, s15;
	(ifvalue) =	ssetifvalue $0x7FFFFFFF  }
0x1b: {  	[tilespmem:s29], [sflag:$0x1] =	stream.indirect_vreg.gather [hbm4b:s2+s10], $0x1, v1, vm0, $0x4038;
	[tilespmem:$0x140] =	vst v63  }
0x1c: {  	s15 =	sadd.s32 $0x10, s29;
	(ifvalue) =	ssetifvalue $0x7FFFFFFF  }
0x1d: {  	[tilespmem:s15], [sflag:$0x1] =	stream.indirect_vreg.gather [hbm4b:s2+s10], $0x1, v0, vm0, $0x4038;
	[tilespmem:$0x140] =	vst v63  }
0x1e: {  	_ =	swait.ge [sflag:s5], $0x50  }
0x1f: {  	s30 =	sshrl.u32 s13, $0x3;
	[sflag:s5] =	ssyncset.done $0x0  }
0x20: {  	s31 =	sand.u32 $0x7, s13;
	s15 =	sadd.s32 s8, s30;
	[sflag:s5] =	ssyncadd.s32 $0xFFFFFFB0  }
0x21: {  	[hbm4b:s15+s31] =	stream.linear.scatter [tilespmem:s14], [sflag:$0x3], $0x50, $0x38;
	[tilespmem:$0x140] =	vst v63  }
.LBB2_5:
0x22: {  	s15 =	sadd.s32 $0x500, s11  }
0x23: {  	p1 =	sgt.s32 s15, $0x7CF  }
0x24: {  	s15 =	smov.u32 @p1 s4;
	p1 =	sne.s32 s12, s9  }
.Ltmp1:
0x25: {  	p0 =	slt.u32 s12, $0x2;
	(pc) =	sbr.rel @!p1 .LBB2_6-.Ltmp1, $4  }
0x26: {  	s14 =	simm.s32 @!p0 $0x3  }
0x27: {  	_ =	swait.ge @!p0 [sflag:s14], $0x50  }
0x28: {  	s16 =	sadd.s32 $0x1, s12;
	s13 =	smov.u32 s11;
	[sflag:s14] =	ssyncset.done @!p0 $0x0  }
0x29: {  	s12 =	smov.u32 s16;
	s11 =	smov.u32 s15;
	[sflag:s14] =	ssyncadd.s32 @!p0 $0xFFFFFFB0  }
.LBB2_1:
0x2a: {  	p0 =	sge.u32 s12, s7  }
0x2b: {  	s14 =	sxor.u32 @!p0 $0x1, s12  }
0x2c: {  	s14 =	smul.u32 @!p0 $0x140, s14  }
0x2d: {  	s31 =	sadd.s32 $0xFFFFFFFF, s12;
	s15 =	sshrl.u32 @!p0 s11, $0x3  }
0x2e: {  	s16 =	sand.u32 @!p0 $0x7, s11;
	s15 =	sadd.s32 @!p0 s3, s15;
	s14 =	sshra.s32 @!p0 s14, $0x2  }
0x2f: {  	[tilespmem:s14], [sflag:$0x2] =	stream.linear.gather @!p0 [hbm4b:s15+s16], $0x50, $0x38;
	[tilespmem:$0x140] =	vst v63  }
0x30: {  	p0 =	sge.u32 s31, s7  }
.Ltmp2:
0x31: {  	_ = 	snop;
	(pc) =	sbr.rel @p0 .LBB2_5-.Ltmp2, $1  }
0x32: {  	_ =	sdelay $0x3  }
0x33: {  	s14 =	sand.u32 $0x1, s12  }
0x34: {  	_ =	swait.ge [sflag:s6], $0x50;
	p0 =	seq.s32 s14, $0x1;
	s14 =	simm.s32 $0x50  }
0x35: {  	[sflag:s6] =	ssyncset.done $0x0;
	s14 =	simm.s32 @!p0 $0x0  }
0x36: {  	[sflag:s6] =	ssyncadd.s32 $0xFFFFFFB0;
	(ifvalue) =	ssetifvalue $0x7FFFFFFF;
	v0 =	vld.msk [tilespmem:s14+$0x0 ss:$0x1], $0xffff;
	_ =	sdelay $0x4  }
0x37: {  	s15 =	sadd.s32 $0x10, s14;
	v2 =	vshrl.u32 v0, $0x1  }
0x38: {  	v1 =	vld.msk [tilespmem:s15+$0x0 ss:$0x1], $0xffff;
	vm1 =	veq.s32 v0, $0x80000000;
	v2 =	vand.u32 $0x3FF, v2  }
0x39: {  	v0 =	vand.u32 $0x1, v0;
	v2 =	vsel vm1, $0xFFFFFFFF, v2  }
0x3a: {  	v0 =	vsel vm1, $0xFFFFFFFF, v0;
	v3 =	vshll.u32 v2, $0x1  }
0x3b: {  	v4 =	vand.u32 $0xFFFFF800, v0;
	v0 =	vshll.u32 v0, $0x7;
	v3 =	vand.u32 $0xFFFFFF00, v3  }
0x3c: {  	v0 =	vand.u32 $0x80, v0;
	v3 =	vadd.s32 v4, v3  }
0x3d: {  	v2 =	vand.u32 $0x7F, v2;
	v4 =	vshrl.u32 v1, $0x1;
	v0 =	vor.u32 v0, v3  }
0x3e: {  	vm1 =	veq.s32 v1, $0x80000000;
	v4 =	vand.u32 $0x3FF, v4;
	v0 =	vor.u32 v2, v0  }
0x3f: {  	s15 =	sadd.s32 $0x10, s15;
	v1 =	vand.u32 $0x1, v1;
	v3 =	vsel vm1, $0xFFFFFFFF, v4  }
0x40: {  	s14 =	sor.u32 $0xA0, s14;
	v2 =	vsel vm1, $0xFFFFFFFF, v1;
	v1 =	vld.msk [tilespmem:s15+$0x0 ss:$0x1], $0xffff;
	v4 =	vshll.u32 v3, $0x1  }
0x41: {  	s17 =	simm.s32 $0x30;
	s16 =	smov.u32 s14;
	v5 =	vshll.u32 v2, $0x7;
	v6 =	vand.u32 $0xFFFFF800, v2;
	v4 =	vand.u32 $0xFFFFFF00, v4  }
0x42: {  	s18 =	sadd.s32 $0x10, s15;
	(ifvalue) =	ssetifvalue $0x7FFFFFFF;
	s15 =	sadd.s32 $0x10, s14;
	v2 =	vand.u32 $0x7F, v3;
	v3 =	vadd.s32 v6, v4;
	v4 =	vand.u32 $0x80, v5  }
.LBB2_3:
0x43: {  	[tilespmem:s16], [sflag:$0x1] =	stream.indirect_vreg.gather [hbm4b:s2+s10], $0x1, v0, vm0, $0x4038;
	[tilespmem:$0x140] =	vst v63  }
0x44: {  	s17 =	sadd.s32 $0x10, s17  }
0x45: {  	v5 =	vand.u32 $0x1, v1;
	v6 =	vshrl.u32 v1, $0x1;
	v3 =	vor.u32 v4, v3;
	v0 =	vmovc v1;
	v1 =	vld.msk [tilespmem:s18+$0x0 ss:$0x1], $0xffff;
	p0 =	slt.u32 s17, $0x40  }
.Ltmp3:
0x46: {  	s16 =	smov.u32 s15;
	vm1 =	veq.s32 v0, $0x80000000;
	v4 =	vand.u32 $0x3FF, v6;
	v0 =	vor.u32 v2, v3;
	(pc) =	sbr.rel @p0 .LBB2_3-.Ltmp3, $4  }
0x47: {  	v3 =	vsel vm1, $0xFFFFFFFF, v5;
	v4 =	vsel vm1, $0xFFFFFFFF, v4  }
0x48: {  	v2 =	vand.u32 $0x7F, v4;
	v4 =	vshll.u32 v4, $0x1;
	v5 =	vshll.u32 v3, $0x7  }
0x49: {  	v3 =	vand.u32 $0xFFFFF800, v3;
	v4 =	vand.u32 $0xFFFFFF00, v4  }
0x4a: {  	s18 =	sadd.s32 $0x10, s18;
	s15 =	sadd.s32 $0x10, s15;
	v3 =	vadd.s32 v3, v4;
	v4 =	vand.u32 $0x80, v5;
	(ifvalue) =	ssetifvalue $0x7FFFFFFF  }
.Ltmp4:
0x4b: {  	_ = 	snop;
	(pc) =	sbr.rel .LBB2_4-.Ltmp4, $1  }
0x4c: {  	_ =	sdelay $0x3  }
.LBB2_6:
0x4d: {  	_ =	sfence.sel $0x180000  }
0x4e: {  	s2 =	simm.s32 $0x2;
	[bflag:$0x0] =	sbarrier.arrive $0xFFFF  }
0x4f: {  	s30 =	simm.s32 $0x3;
	[sflag:s2] =	ssyncpa.u1 $0x1  }
0x50: {  	s31 =	simm.s32 $0x1;
	[sflag:s30] =	ssyncpa.u1 $0x1  }
0x51: {  	[sflag:s31] =	ssyncpa.u1 $0x1  }
0x52: {  	p0 =	sne.s32 s1, $0x0;
	_ =	strace $0x9000004A  }
0x53: {  	s0 =	sadd.s32 @!p0 $0x100000, s0;
	[bflag:$0x2] =	sbarrier.arrive $0xFFFF  }
0x54: {  	[sflag:s0] =	ssyncadd.tile.s32 @!p0 $0x1;
	_ =	shalt  }
.Lfunc_end2:
_tile_overlayer_lowered:
.L_overlay_start_2:
0x55: {  	(tag) =	ssettag $0x2  }
0x56: {  	s0 =	rddreg [dreg:$0x0];
	s2 =	stileid.u32  }
0x57: {  	s1 =	rddreg [dreg:$0x1];
	p0 =	sne.s32 s2, $0x0  }
0x58: {  	s3 =	rddreg [dreg:$0x2];
	[bflag:$0x3] =	sbarrier.arrive $0xFFFF;
	s2 =	simm.s32 @!p0 $0x1C01  }
0x59: {  	[timem:s3], [sflag:s2] =	dma.local @!p0 [hbm:s0], s1  }
0x5a: {  	s0 =	simm.s32 @!p0 $0x1  }
0x5b: {  	_ =	swait.ge @!p0 [sflag:s0], s1  }
0x5c: {  	s1 =	ssub.s32 @!p0 $0x0, s1;
	[sflag:s0] =	ssyncset.done @!p0 $0x0  }
0x5d: {  	[sflag:s0] =	ssyncadd.s32 @!p0 s1  }
0x5e: {  	[bflag:$0x3] =	sbarrier.arrive $0xFFFF  }
0x5f: {  	_ =	shalt  }

// kernel: gather_offload_async_start.2
scs
__scs_entry_jumppad:
0x0: {  	(pc) =	sbr.rel $0x88, $3  }
0x1: {  	(tag) =	ssettag $0x0;
	lr =	simm.s32 $0x1  }
0x2: {  	[smem:$0x3F9A] =	sst lr;
	_ =	strace $0xD0000000  }
0x3: {  	_ = 	snop  }
0x4: {  	_ = 	snop  }
0x5: {  	_ = 	snop  }
0x6: {  	_ = 	snop  }
0x7: {  	_ = 	snop  }
__scs_overlays_trampoline_lowered:
0x8: {  	[smem:$0x3FA9] =	sst s0  }
0x9: {  	[smem:$0x3FAA] =	sst s1  }
0xa: {  	[smem:$0x3FAB] =	sst s2  }
0xb: {  	[smem:$0x3FAC] =	sst s3  }
0xc: {  	[smem:$0x3FAD] =	sst s4  }
0xd: {  	[smem:$0x3FAE] =	sst s5  }
0xe: {  	[smem:$0x3FAF] =	sst s6  }
0xf: {  	[smem:$0x3FB0] =	sst s7  }
0x10: {  	[smem:$0x3FB1] =	sst s8  }
0x11: {  	[smem:$0x3FB2] =	sst s9;
	s0 =	simm.s32 @!p0 $0x0  }
0x12: {  	s1 =	sld [smem:$0x3F98];
	s0 =	simm.s32 @p0 $0x1  }
0x13: {  	[smem:$0x3FB3] =	sst s0;
	s0 =	simm.s32 @!p1 $0x0  }
0x14: {  	s2 =	sld [smem:$0x3F97];
	s0 =	simm.s32 @p1 $0x1  }
0x15: {  	[smem:$0x3FB4] =	sst s0;
	s0 =	simm.s32 @!p2 $0x0  }
0x16: {  	s3 =	sld [smem:$0x3FDB];
	s0 =	simm.s32 @p2 $0x1  }
0x17: {  	s4 =	simm.s32 $0x1BF5;
	[smem:$0x3FB6] =	sst s0  }
0x18: {  	s0 =	sld [smem:$0x3F99];
	_ =	swait.ge [sflag:s4], $0x0  }
0x19: {  	s7 =	sld [smem:$0x3F9A]  }
0x1a: {  	s8 =	sadd.s32 $0xFFFFE003, lr  }
0x1b: {  	s9 =	sadd.s32 $0xFFFFFEF7, lr;
	s5 =	simm.s32 $0xFFFFFFFF;
	p2 =	slt.u32 s8, $0xFFFFF086  }
0x1c: {  	p1 =	slt.u32 s9, $0xF7A;
	s5 =	simm.s32 @!p2 $0x0  }
0x1d: {  	s5 =	simm.s32 @p1 $0x1;
	p0 =	seq.s32 s7, s2  }
0x1e: {  	s7 =	smul.u32 @!p0 $0xF7A, s2;
	p2 =	seq.s32 @!p0 s5, $0x0  }
0x1f: {  	s9 =	smul.u32 $0xF7A, s1;
	s8 =	simm.s32 @!p0 $0x1BF5;
	p2 =	por !p2, p0  }
0x20: {  	[sflag:s8] =	ssyncset.s32 @!p0 $0xFFFFF086;
	s6 =	sadd.s32 @!p0 s3, s7;
	s7 =	simm.s32 @!p0 $0x108  }
0x21: {  	s3 =	sadd.s32 s3, s9;
	s6 =	sadd.s32 @!p0 $0x88, s6;
	s7 =	simm.s32 @p2 $0x1082  }
0x22: {  	[simem:s7], [sflag:s8] =	dma.local @!p0 [hbm:s6], $0xF7A  }
0x23: {  	s9 =	sor.u32 $0xD0000000, s2;
	s6 =	simm.s32 $0x108;
	_ =	swait.ge @!p0 [sflag:s8], $0x0  }
0x24: {  	s3 =	sadd.s32 $0x88, s3;
	s6 =	simm.s32 @!p1 $0x1082;
	[sflag:s4] =	ssyncset.s32 $0xFFFFF086  }
0x25: {  	[simem:s6], [sflag:s4] =	dma.local [hbm:s3], $0xF7A  }
0x26: {  	[smem:$0x3F9A] =	sst s1;
	(tag) =	ssettag s2;
	_ =	strace s9  }
0x27: {  	s1 =	sld [smem:$0x3FAA]  }
0x28: {  	s2 =	sld [smem:$0x3FAB]  }
0x29: {  	s4 =	sld [smem:$0x3FAD]  }
0x2a: {  	p0 =	seq.s32 s5, $0x0;
	s5 =	sld [smem:$0x3FAE]  }
0x2b: {  	s6 =	sld [smem:$0x3FAF]  }
0x2c: {  	s7 =	sld [smem:$0x3FB0]  }
0x2d: {  	s3 =	simm.s32 $0x108;
	s8 =	sld [smem:$0x3FB1]  }
0x2e: {  	s3 =	simm.s32 @!p0 $0x1082;
	s9 =	sld [smem:$0x3FB2]  }
0x2f: {  	lr =	sadd.s32 s0, s3;
	s0 =	sld [smem:$0x3FA9]  }
0x30: {  	s3 =	sld [smem:$0x3FAC]  }
0x31: {  	[smem:$0x3FB5] =	sst s10  }
0x32: {  	s10 =	sld [smem:$0x3FB3];
	_ =	sdelay $0x3  }
0x33: {  	p0 =	seq.s32 s10, $0x1;
	s10 =	sld [smem:$0x3FB5];
	_ =	sdelay $0x3  }
0x34: {  	[smem:$0x3FB5] =	sst s10  }
0x35: {  	s10 =	sld [smem:$0x3FB4];
	_ =	sdelay $0x3  }
0x36: {  	p1 =	seq.s32 s10, $0x1;
	s10 =	sld [smem:$0x3FB5];
	_ =	sdelay $0x3  }
0x37: {  	[smem:$0x3FB5] =	sst s10  }
0x38: {  	s10 =	sld [smem:$0x3FB6]  }
0x39: {  	_ = 	snop;
	(pc) =	sbr.ind lr, $3  }
0x3a: {  	_ = 	snop  }
0x3b: {  	_ = 	snop  }
0x3c: {  	p2 =	seq.s32 s10, $0x1;
	s10 =	sld [smem:$0x3FB5]  }
0x3d: {  	_ =	shalt  }
0x3e: {  	_ =	shalt  }
0x3f: {  	_ =	shalt  }
0x40: {  	_ =	shalt  }
0x41: {  	_ =	shalt  }
0x42: {  	_ =	shalt  }
0x43: {  	_ =	shalt  }
0x44: {  	_ =	shalt  }
0x45: {  	_ =	shalt  }
0x46: {  	_ =	shalt  }
0x47: {  	_ =	shalt  }
0x48: {  	_ =	shalt  }
0x49: {  	_ =	shalt  }
0x4a: {  	_ =	shalt  }
0x4b: {  	_ =	shalt  }
0x4c: {  	_ =	shalt  }
0x4d: {  	_ =	shalt  }
0x4e: {  	_ =	shalt  }
0x4f: {  	_ =	shalt  }
0x50: {  	_ =	shalt  }
0x51: {  	_ =	shalt  }
0x52: {  	_ =	shalt  }
0x53: {  	_ =	shalt  }
0x54: {  	_ =	shalt  }
0x55: {  	_ =	shalt  }
0x56: {  	_ =	shalt  }
0x57: {  	_ =	shalt  }
0x58: {  	_ =	shalt  }
0x59: {  	_ =	shalt  }
0x5a: {  	_ =	shalt  }
0x5b: {  	_ =	shalt  }
0x5c: {  	_ =	shalt  }
0x5d: {  	_ =	shalt  }
0x5e: {  	_ =	shalt  }
0x5f: {  	_ =	shalt  }
0x60: {  	_ =	shalt  }
0x61: {  	_ =	shalt  }
0x62: {  	_ =	shalt  }
0x63: {  	_ =	shalt  }
0x64: {  	_ =	shalt  }
0x65: {  	_ =	shalt  }
0x66: {  	_ =	shalt  }
0x67: {  	_ =	shalt  }
0x68: {  	_ =	shalt  }
0x69: {  	_ =	shalt  }
0x6a: {  	_ =	shalt  }
0x6b: {  	_ =	shalt  }
0x6c: {  	_ =	shalt  }
0x6d: {  	_ =	shalt  }
0x6e: {  	_ =	shalt  }
0x6f: {  	_ =	shalt  }
0x70: {  	_ =	shalt  }
0x71: {  	_ =	shalt  }
0x72: {  	_ =	shalt  }
0x73: {  	_ =	shalt  }
0x74: {  	_ =	shalt  }
0x75: {  	_ =	shalt  }
0x76: {  	_ =	shalt  }
0x77: {  	_ =	shalt  }
0x78: {  	_ =	shalt  }
0x79: {  	_ =	shalt  }
0x7a: {  	_ =	shalt  }
0x7b: {  	_ =	shalt  }
0x7c: {  	_ =	shalt  }
0x7d: {  	_ =	shalt  }
0x7e: {  	_ =	shalt  }
0x7f: {  	_ =	shalt  }
0x80: {  	_ =	shalt  }
0x81: {  	_ =	shalt  }
0x82: {  	_ =	shalt  }
0x83: {  	_ =	shalt  }
0x84: {  	_ =	shalt  }
0x85: {  	_ =	shalt  }
0x86: {  	_ =	shalt  }
0x87: {  	_ =	shalt  }
.Lfunc_end0:
.L_simem_size_0:
called_computation.2_lowered:
.L_overlay_start_0:
0x88: {  	s0 =	sld [smem:$0x3FD9]  }
0x89: {  	s1 =	sld [smem:$0x3FFE];
	_ =	sdelay $0x3  }
0x8a: {  	s0 =	sadd.s32 s1, s0  }
0x8b: {  	[smem:$0x3FC1] =	sst s0  }
0x8c: {  	_ = 	snop  }
0x8d: {  	s0 =	sld [smem:$0x3FD0];
	(tm) =	ssettm $0x1  }
0x8e: {  	s16 =	sld [smem:$0x3FFB];
	_ =	sdelay $0x3  }
0x8f: {  	_ =	strace s16  }
0x90: {  	s1 =	sld [smem:$0x3FFC];
	_ =	sdelay $0x3  }
0x91: {  	_ =	strace s1  }
0x92: {  	s1 =	sld [smem:$0x3FFD];
	_ =	sdelay $0x3  }
0x93: {  	_ =	strace s1  }
0x94: {  	_ =	strace $0x8FFFFFFF  }
0x95: {  	s17 =	sld [smem:$0x3FDB];
	_ =	sdelay $0x1  }
0x96: {  	s2 =	simm.s32 $_scs_section_size  }
0x97: {  	s3 =	simm.s32 $_size__tile_overlayer_lowered;
	s4 =	simm.s32 $_tile_overlayer_lowered  }
0x98: {  	s20 =	simm.s32 $0x1BFF;
	s19 =	sshll.u32 s4, $0x1;
	s1 =	sadd.s32 s2, s17  }
0x99: {  	s5 =	simm.s32 $0x0;
	s18 =	sshll.u32 s3, $0x1;
	s3 =	sadd.s32 s19, s1  }
0x9a: {  	[timem:s5], [sflag:s20] =	dma.local [hbm:s3], s18  }
0x9b: {  	_ =	swait.ge [sflag:s20], s18  }
0x9c: {  	s2 =	ssub.s32 $0x0, s18;
	[sflag:s20] =	ssyncset.done $0x0  }
0x9d: {  	[sflag:s20] =	ssyncadd.s32 s2;
	_ =	sdelay $0x1  }
0x9e: {  	s21 =	simm.s32 $0x1B8B  }
0x9f: {  	_ =	swait.ge [sflag:s21], $0x1  }
0xa0: {  	[sflag:s21] =	ssyncset.done $0x0  }
0xa1: {  	s23 =	simm.s32 $0x1B8E;
	s22 =	sld [smem:$0x3FFE];
	[sflag:s21] =	ssyncadd.s32 $0xFFFFFFFF  }
0xa2: {  	s24 =	simm.s32 $execute0_lowered;
	[smem:$0x3FD2] =	sst s23  }
0xa3: {  	s3 =	sshll.u32 s24, $0x1;
	_ =	strace $0x8000004C;
	[dreg:$0x1] =	wrdreg $0xFFFFFFFF  }
0xa4: {  	s25 =	simm.s32 $_size_execute0_lowered;
	s1 =	sadd.s32 s1, s3;
	[dreg:$0x0] =	wrdreg $0x0  }
0xa5: {  	s3 =	sshll.u32 s25, $0x1;
	[dreg:$0x2] =	wrdreg s1  }
0xa6: {  	[dreg:$0x3] =	wrdreg s3  }
0xa7: {  	[dreg:$0x4] =	wrdreg $0xC0  }
0xa8: {  	_ =	task [dreg:s5], $0x5FFFF  }
0xa9: {  	[dreg:$0x1] =	wrdreg $0xFFFFFFFF  }
0xaa: {  	[dreg:$0x0] =	wrdreg $0x60  }
0xab: {  	[dreg:$0x2] =	wrdreg s22  }
0xac: {  	[dreg:$0x3] =	wrdreg s0  }
0xad: {  	[dreg:$0x4] =	wrdreg $0x9  }
0xae: {  	_ =	task.clear_ibuf [dreg:s5], $0x5FFFF;
	_ =	strace $0x9000004C  }
0xaf: {  	s26 =	simm.s32 $0x9;
	_ =	strace $0x8000004E  }
0xb0: {  	_ =	swait.ge [sflag:s26], $0x1  }
0xb1: {  	[sflag:s26] =	ssyncadd.s32 $0xFFFFFFFF  }
0xb2: {  	_ =	strace $0x9000004E  }
0xb3: {  	_ =	sfence  }
0xb4: {  	s28 =	sld [smem:$0x0];
	_ =	sdelay $0x1  }
0xb5: {  	s29 =	srdreg.scid  }
0xb6: {  	s30 =	sshll.u32 s29, $0xD;
	s31 =	sshrl.u32 s29, $0x2  }
0xb7: {  	s2 =	sand.u32 $0x4000, s30;
	s1 =	sand.u32 $0x1, s29;
	s0 =	sadd.s32 s31, s28  }
0xb8: {  	s1 =	sor.u32 s2, s1;
	s0 =	sshll.u32 s0, $0x11  }
0xb9: {  	s0 =	sor.u32 s0, s1  }
0xba: {  	s0 =	sadd.s32 $0x8F2B, s0  }
0xbb: {  	[sflag:s0] =	ssyncadd.remote.s32 $0x1  }
0xbc: {  	_ =	sfence.sel $0xFFFF  }
0xbd: {  	[dreg:$0x0] =	wrdreg $0xFFFFFFFF;
	(pc) =	sbr.abs _section_cstart, $3  }
0xbe: {  	[dreg:$0x1] =	wrdreg $0xFFFFFFFF  }
0xbf: {  	_ =	task.clear_ibuf [dreg:s5], $0x2FFFF;
	_ =	strace $0x9FFFFFFF  }
0xc0: {  	(tm) =	ssettm $0x7FFFFFFF  }
0xc1: {  	_ =	shalt  }
tec
execute0_lowered:
.L_overlay_start_1:
0x0: {  	(tag) =	ssettag $0x1  }
0x1: {  	s0 =	stileid.u32  }
0x2: {  	s1 =	smin.u32 s0, $0x9  }
0x3: {  	s1 =	sadd.s32 s0, s1  }
0x4: {  	s2 =	simm.s32 $0xA0;
	p0 =	slt.u32 s0, $0x9;
	s1 =	smul.u32 $0x50, s1  }
0x5: {  	s2 =	simm.s32 @!p0 $0x50  }
0x6: {  	s2 =	sadd.s32 s2, s1  }
0x7: {  	s3 =	smin.u32 s2, $0x7D0  }
0x8: {  	s7 =	ssub.s32 s3, s1  }
0x9: {  	p0 =	sgt.s32 s7, $0x0  }
0xa: {  	s7 =	simm.s32 @!p0 $0x0  }
0xb: {  	s9 =	rddreg [dreg:$0x0];
	s31 =	smul.u32 $0xCCCD, s7  }
0xc: {  	s4 =	rddreg [dreg:$0x1];
	s6 =	simm.s32 $0x1  }
0xd: {  	s11 =	simm.s32 $0x3;
	s13 =	simm.s32 $0x0;
	s8 =	sshrl.u32 s31, $0x16  }
0xe: {  	s12 =	simm.s32 $0x0;
	s5 =	sadd.s32 $0x400, s9;
	s10 =	smul.u32 $0x50, s8  }
.Ltmp0:
0xf: {  	s9 =	sadd.s32 $0x8200, s9;
	s2 =	rddreg [dreg:$0x2];
	(pc) =	sbr.rel .LBB2_1-.Ltmp0, $4  }
0x10: {  	_ =	strace $0x8000004D;
	p0 =	sne.s32 s7, s10;
	s10 =	simm.s32 $0x1  }
0x11: {  	[sflag:s6] =	ssyncpa.u1 $0x0;
	s7 =	simm.s32 $0x2;
	s10 =	simm.s32 @!p0 $0x0  }
0x12: {  	[sflag:s7] =	ssyncpa.u1 $0x0;
	p0 =	por $0x0, $0x0;
	s8 =	sadd.s32 s8, s10  }
0x13: {  	v0 =	vimm.s32 $0x0;
	vm0 =	vmmov $0xff;
	vm1 =	vcmask $0x3F20;
	[sflag:s11] =	ssyncpa.u1 $0x0;
	s11 =	smov.u32 s1;
	s10 =	sadd.s32 $0x1, s8  }
.LBB2_6:
0x14: {  	[hbm:s17] =	stream.linear.scatter [tilespmem:s14], [sflag:$0x3], $0x400, $0x38;
	[tilespmem:$0x50A0] =	vst v63  }
.LBB2_7:
0x15: {  	s13 =	sadd.s32 $0x50, s11  }
0x16: {  	s15 =	smov.u32 s1;
	p2 =	slt.s32 s13, s3  }
0x17: {  	s15 =	smov.u32 @p2 s13;
	p2 =	sne.s32 s12, s10  }
.Ltmp1:
0x18: {  	p1 =	slt.u32 s12, $0x2;
	(pc) =	sbr.rel @!p2 .LBB2_8-.Ltmp1, $4  }
0x19: {  	s14 =	simm.s32 @!p1 $0x3  }
0x1a: {  	s16 =	sadd.s32 $0x1, s12;
	_ =	swait.ge @!p1 [sflag:s14], $0x2800  }
0x1b: {  	p0 =	por !p0, !p0;
	s13 =	smov.u32 s11;
	[sflag:s14] =	ssyncset.done @!p1 $0x0  }
0x1c: {  	s12 =	smov.u32 s16;
	s11 =	smov.u32 s15;
	[sflag:s14] =	ssyncadd.s32 @!p1 $0xFFFFD800  }
.LBB2_1:
0x1d: {  	p1 =	sge.u32 s12, s8  }
0x1e: {  	s14 =	sxor.u32 @!p1 $0xFFFFFFFF, s12  }
0x1f: {  	s14 =	sand.u32 @!p1 $0x1, s14  }
0x20: {  	s14 =	smul.u32 @!p1 $0x140, s14  }
0x21: {  	s31 =	sadd.s32 $0xFFFFFFFF, s12;
	s15 =	sshrl.u32 @!p1 s11, $0x3  }
0x22: {  	s16 =	sand.u32 @!p1 $0x7, s11;
	s15 =	sadd.s32 @!p1 s4, s15;
	s14 =	sshrl.u32 @!p1 s14, $0x2  }
0x23: {  	[tilespmem:s14], [sflag:$0x2] =	stream.linear.gather @!p1 [hbm4b:s15+s16], $0x50, $0x38;
	[tilespmem:$0x50A0] =	vst v63  }
0x24: {  	p1 =	sge.u32 s31, s8  }
.Ltmp2:
0x25: {  	_ = 	snop;
	(pc) =	sbr.rel @p1 .LBB2_7-.Ltmp2, $1  }
0x26: {  	_ =	sdelay $0x3  }
0x27: {  	s14 =	simm.s32 $0x1  }
0x28: {  	s14 =	simm.s32 @!p0 $0x0  }
0x29: {  	s15 =	smul.u32 $0x140, s14  }
0x2a: {  	_ =	swait.ge [sflag:s7], $0x50  }
0x2b: {  	[sflag:s7] =	ssyncset.done $0x0;
	s16 =	sshrl.u32 s15, $0x2  }
0x2c: {  	[sflag:s7] =	ssyncadd.s32 $0xFFFFFFB0;
	s15 =	sadd.s32 $0x0, s16  }
0x2d: {  	v1 =	vld.msk [tilespmem:s15+$0x0 ss:$0x1], $0xffff;
	_ =	sdelay $0x4  }
0x2e: {  	v2 =	vand.u32 $0x1, v1;
	v3 =	vshll.u32 v1, $0x6  }
0x2f: {  	vm2 =	veq.s32 v1, $0x80000000;
	vm3 =	veq.s32 v2, $0x1;
	v1 =	vand.u32 $0x1FF80, v3  }
0x30: {  	v2 =	vsel vm3, $0x1F400, v0;
	v1 =	vsel vm2, $0xFFFFFF80, v1  }
0x31: {  	v2 =	vsel vm2, $0xFFFE0C00, v2;
	v3 =	vand.u32 $0xFFFFFC00, v1  }
0x32: {  	v1 =	vand.u32 $0x380, v1;
	v2 =	vadd.s32 v2, v3  }
0x33: {  	v1 =	vor.u32 v1, v2  }
0x34: {  	v1 =	vshrl.u32 v1, $0x3  }
0x35: {  	s14 =	smul.u32 $0xA000, s14;
	_ =	sdelay $0x1  }
0x36: {  	s14 =	sshrl.u32 s14, $0x2  }
0x37: {  	s14 =	sor.u32 $0xA0, s14  }
0x38: {  	[tilespmem:s14], [sflag:$0x1] =	stream.indirect_vreg.gather [hbm:s5], $0x80, v1, vm0, $0x38;
	[tilespmem:$0x50A0] =	vst v63  }
0x39: {  	s17 =	sadd.s32 $0x10, s16;
	s15 =	sadd.s32 $0x400, s14  }
0x3a: {  	[tilespmem:s15], [sflag:$0x1] =	stream.indirect_vreg.gather [hbm:s5], $0x80, v1, vm1, $0x38;
	[tilespmem:$0x50A0] =	vst v63  }
0x3b: {  	s18 =	simm.s32 $0x80;
	v1 =	vld.msk [tilespmem:s17+$0x0 ss:$0x1], $0xffff;
	s17 =	smov.u32 s14  }
.LBB2_3:
0x3c: {  	p1 =	sne.s32 s18, $0x100;
	_ =	sdelay $0x4  }
0x3d: {  	v2 =	vand.u32 $0x1, v1;
	v3 =	vshll.u32 v1, $0x6  }
0x3e: {  	vm2 =	veq.s32 v1, $0x80000000;
	vm3 =	veq.s32 v2, $0x1;
	v1 =	vand.u32 $0x1FF80, v3  }
0x3f: {  	v2 =	vsel vm3, $0x1F400, v0;
	v1 =	vsel vm2, $0xFFFFFF80, v1  }
0x40: {  	v2 =	vsel vm2, $0xFFFE0C00, v2;
	v3 =	vand.u32 $0xFFFFFC00, v1  }
0x41: {  	v1 =	vand.u32 $0x380, v1;
	v2 =	vadd.s32 v2, v3  }
0x42: {  	v1 =	vor.u32 v1, v2  }
0x43: {  	v1 =	vshrl.u32 v1, $0x3;
	_ =	sdelay $0x3  }
.Ltmp3:
0x44: {  	s19 =	sshra.s32 s18, $0x2;
	s17 =	sadd.s32 $0x800, s17;
	(pc) =	sbr.rel @p1 .LBB2_3-.Ltmp3, $4  }
0x45: {  	[tilespmem:s17], [sflag:$0x1] =	stream.indirect_vreg.gather [hbm:s5], $0x80, v1, vm0, $0x38;
	[tilespmem:$0x50A0] =	vst v63  }
0x46: {  	s19 =	sadd.s32 s19, s16;
	s20 =	sadd.s32 $0x400, s17  }
0x47: {  	[tilespmem:s20], [sflag:$0x1] =	stream.indirect_vreg.gather [hbm:s5], $0x80, v1, vm1, $0x38;
	[tilespmem:$0x50A0] =	vst v63  }
0x48: {  	s18 =	sadd.s32 $0x40, s18;
	v1 =	vld.msk [tilespmem:s19+$0x0 ss:$0x1], $0xffff  }
0x49: {  	_ =	sdelay $0x3  }
0x4a: {  	v2 =	vand.u32 $0x1, v1;
	v3 =	vshll.u32 v1, $0x6  }
0x4b: {  	vm2 =	veq.s32 v1, $0x80000000;
	vm3 =	veq.s32 v2, $0x1;
	v1 =	vand.u32 $0x1FF80, v3  }
0x4c: {  	v2 =	vsel vm3, $0x1F400, v0;
	v1 =	vsel vm2, $0xFFFFFF80, v1  }
0x4d: {  	v2 =	vsel vm2, $0xFFFE0C00, v2;
	v3 =	vand.u32 $0xFFFFFC00, v1  }
0x4e: {  	v1 =	vand.u32 $0x380, v1;
	v2 =	vadd.s32 v2, v3  }
0x4f: {  	v1 =	vor.u32 v1, v2  }
0x50: {  	v1 =	vshrl.u32 v1, $0x3;
	_ =	sdelay $0x3  }
0x51: {  	s16 =	sadd.s32 $0x800, s17  }
0x52: {  	[tilespmem:s16], [sflag:$0x1] =	stream.indirect_vreg.gather [hbm:s5], $0x80, v1, vm0, $0x38;
	[tilespmem:$0x50A0] =	vst v63  }
0x53: {  	s16 =	sadd.s32 $0x400, s16  }
0x54: {  	[tilespmem:s16], [sflag:$0x1] =	stream.indirect_vreg.gather [hbm:s5], $0x80, v1, vm1, $0x38;
	[tilespmem:$0x50A0] =	vst v63  }
0x55: {  	s13 =	sshll.u32 s13, $0x4;
	_ =	swait.ge [sflag:s6], $0x2800  }
0x56: {  	s13 =	sadd.s32 s13, s9;
	[sflag:s6] =	ssyncset.done $0x0  }
0x57: {  	s17 =	sadd.s32 $0x0, s13;
	s16 =	simm.s32 $0x80;
	[sflag:s6] =	ssyncadd.s32 $0xFFFFD800  }
.LBB2_5:
0x58: {  	[hbm:s17] =	stream.linear.scatter [tilespmem:s14], [sflag:$0x3], $0x400, $0x38;
	[tilespmem:$0x50A0] =	vst v63  }
0x59: {  	s17 =	smov.u32 s16;
	s14 =	smov.u32 s15;
	p1 =	sne.s32 s16, $0x480  }
.Ltmp4:
0x5a: {  	s16 =	sadd.s32 $0x80, s16;
	(pc) =	sbr.rel @p1 .LBB2_5-.Ltmp4, $2  }
0x5b: {  	_ =	sdelay $0x2  }
0x5c: {  	s15 =	sadd.s32 $0x400, s15;
	s17 =	sadd.s32 s17, s13  }
.Ltmp5:
0x5d: {  	_ = 	snop;
	(pc) =	sbr.rel .LBB2_6-.Ltmp5, $1  }
0x5e: {  	_ =	sdelay $0x3  }
.LBB2_8:
0x5f: {  	_ =	sfence.sel $0x180000  }
0x60: {  	s1 =	simm.s32 $0x2;
	[bflag:$0x0] =	sbarrier.arrive $0xFFFF  }
0x61: {  	s30 =	simm.s32 $0x3;
	[sflag:s1] =	ssyncpa.u1 $0x1  }
0x62: {  	s31 =	simm.s32 $0x1;
	[sflag:s30] =	ssyncpa.u1 $0x1  }
0x63: {  	[sflag:s31] =	ssyncpa.u1 $0x1  }
0x64: {  	p0 =	sne.s32 s0, $0x0;
	_ =	strace $0x9000004D  }
0x65: {  	s0 =	sadd.s32 @!p0 $0x100000, s2;
	[bflag:$0x2] =	sbarrier.arrive $0xFFFF  }
0x66: {  	[sflag:s0] =	ssyncadd.tile.s32 @!p0 $0x1;
	_ =	shalt  }
.Lfunc_end2:
_tile_overlayer_lowered:
.L_overlay_start_2:
0x67: {  	(tag) =	ssettag $0x2  }
0x68: {  	s0 =	rddreg [dreg:$0x0];
	s2 =	stileid.u32  }
0x69: {  	s1 =	rddreg [dreg:$0x1];
	p0 =	sne.s32 s2, $0x0  }
0x6a: {  	s3 =	rddreg [dreg:$0x2];
	[bflag:$0x3] =	sbarrier.arrive $0xFFFF;
	s2 =	simm.s32 @!p0 $0x1C01  }
0x6b: {  	[timem:s3], [sflag:s2] =	dma.local @!p0 [hbm:s0], s1  }
0x6c: {  	s0 =	simm.s32 @!p0 $0x1  }
0x6d: {  	_ =	swait.ge @!p0 [sflag:s0], s1  }
0x6e: {  	s1 =	ssub.s32 @!p0 $0x0, s1;
	[sflag:s0] =	ssyncset.done @!p0 $0x0  }
0x6f: {  	[sflag:s0] =	ssyncadd.s32 @!p0 s1  }
0x70: {  	[bflag:$0x3] =	sbarrier.arrive $0xFFFF  }
0x71: {  	_ =	shalt  }

// kernel: gather_offload_async_start
scs
__scs_entry_jumppad:
0x0: {  	(pc) =	sbr.rel $0x88, $3  }
0x1: {  	(tag) =	ssettag $0x0;
	lr =	simm.s32 $0x1  }
0x2: {  	[smem:$0x3F9A] =	sst lr;
	_ =	strace $0xD0000000  }
0x3: {  	_ = 	snop  }
0x4: {  	_ = 	snop  }
0x5: {  	_ = 	snop  }
0x6: {  	_ = 	snop  }
0x7: {  	_ = 	snop  }
__scs_overlays_trampoline_lowered:
0x8: {  	[smem:$0x3FA9] =	sst s0  }
0x9: {  	[smem:$0x3FAA] =	sst s1  }
0xa: {  	[smem:$0x3FAB] =	sst s2  }
0xb: {  	[smem:$0x3FAC] =	sst s3  }
0xc: {  	[smem:$0x3FAD] =	sst s4  }
0xd: {  	[smem:$0x3FAE] =	sst s5  }
0xe: {  	[smem:$0x3FAF] =	sst s6  }
0xf: {  	[smem:$0x3FB0] =	sst s7  }
0x10: {  	[smem:$0x3FB1] =	sst s8  }
0x11: {  	[smem:$0x3FB2] =	sst s9;
	s0 =	simm.s32 @!p0 $0x0  }
0x12: {  	s1 =	sld [smem:$0x3F98];
	s0 =	simm.s32 @p0 $0x1  }
0x13: {  	[smem:$0x3FB3] =	sst s0;
	s0 =	simm.s32 @!p1 $0x0  }
0x14: {  	s2 =	sld [smem:$0x3F97];
	s0 =	simm.s32 @p1 $0x1  }
0x15: {  	[smem:$0x3FB4] =	sst s0;
	s0 =	simm.s32 @!p2 $0x0  }
0x16: {  	s3 =	sld [smem:$0x3FDB];
	s0 =	simm.s32 @p2 $0x1  }
0x17: {  	s4 =	simm.s32 $0x1BF5;
	[smem:$0x3FB6] =	sst s0  }
0x18: {  	s0 =	sld [smem:$0x3F99];
	_ =	swait.ge [sflag:s4], $0x0  }
0x19: {  	s7 =	sld [smem:$0x3F9A]  }
0x1a: {  	s8 =	sadd.s32 $0xFFFFE003, lr  }
0x1b: {  	s9 =	sadd.s32 $0xFFFFFEF7, lr;
	s5 =	simm.s32 $0xFFFFFFFF;
	p2 =	slt.u32 s8, $0xFFFFF086  }
0x1c: {  	p1 =	slt.u32 s9, $0xF7A;
	s5 =	simm.s32 @!p2 $0x0  }
0x1d: {  	s5 =	simm.s32 @p1 $0x1;
	p0 =	seq.s32 s7, s2  }
0x1e: {  	s7 =	smul.u32 @!p0 $0xF7A, s2;
	p2 =	seq.s32 @!p0 s5, $0x0  }
0x1f: {  	s9 =	smul.u32 $0xF7A, s1;
	s8 =	simm.s32 @!p0 $0x1BF5;
	p2 =	por !p2, p0  }
0x20: {  	[sflag:s8] =	ssyncset.s32 @!p0 $0xFFFFF086;
	s6 =	sadd.s32 @!p0 s3, s7;
	s7 =	simm.s32 @!p0 $0x108  }
0x21: {  	s3 =	sadd.s32 s3, s9;
	s6 =	sadd.s32 @!p0 $0x88, s6;
	s7 =	simm.s32 @p2 $0x1082  }
0x22: {  	[simem:s7], [sflag:s8] =	dma.local @!p0 [hbm:s6], $0xF7A  }
0x23: {  	s9 =	sor.u32 $0xD0000000, s2;
	s6 =	simm.s32 $0x108;
	_ =	swait.ge @!p0 [sflag:s8], $0x0  }
0x24: {  	s3 =	sadd.s32 $0x88, s3;
	s6 =	simm.s32 @!p1 $0x1082;
	[sflag:s4] =	ssyncset.s32 $0xFFFFF086  }
0x25: {  	[simem:s6], [sflag:s4] =	dma.local [hbm:s3], $0xF7A  }
0x26: {  	[smem:$0x3F9A] =	sst s1;
	(tag) =	ssettag s2;
	_ =	strace s9  }
0x27: {  	s1 =	sld [smem:$0x3FAA]  }
0x28: {  	s2 =	sld [smem:$0x3FAB]  }
0x29: {  	s4 =	sld [smem:$0x3FAD]  }
0x2a: {  	p0 =	seq.s32 s5, $0x0;
	s5 =	sld [smem:$0x3FAE]  }
0x2b: {  	s6 =	sld [smem:$0x3FAF]  }
0x2c: {  	s7 =	sld [smem:$0x3FB0]  }
0x2d: {  	s3 =	simm.s32 $0x108;
	s8 =	sld [smem:$0x3FB1]  }
0x2e: {  	s3 =	simm.s32 @!p0 $0x1082;
	s9 =	sld [smem:$0x3FB2]  }
0x2f: {  	lr =	sadd.s32 s0, s3;
	s0 =	sld [smem:$0x3FA9]  }
0x30: {  	s3 =	sld [smem:$0x3FAC]  }
0x31: {  	[smem:$0x3FB5] =	sst s10  }
0x32: {  	s10 =	sld [smem:$0x3FB3];
	_ =	sdelay $0x3  }
0x33: {  	p0 =	seq.s32 s10, $0x1;
	s10 =	sld [smem:$0x3FB5];
	_ =	sdelay $0x3  }
0x34: {  	[smem:$0x3FB5] =	sst s10  }
0x35: {  	s10 =	sld [smem:$0x3FB4];
	_ =	sdelay $0x3  }
0x36: {  	p1 =	seq.s32 s10, $0x1;
	s10 =	sld [smem:$0x3FB5];
	_ =	sdelay $0x3  }
0x37: {  	[smem:$0x3FB5] =	sst s10  }
0x38: {  	s10 =	sld [smem:$0x3FB6]  }
0x39: {  	_ = 	snop;
	(pc) =	sbr.ind lr, $3  }
0x3a: {  	_ = 	snop  }
0x3b: {  	_ = 	snop  }
0x3c: {  	p2 =	seq.s32 s10, $0x1;
	s10 =	sld [smem:$0x3FB5]  }
0x3d: {  	_ =	shalt  }
0x3e: {  	_ =	shalt  }
0x3f: {  	_ =	shalt  }
0x40: {  	_ =	shalt  }
0x41: {  	_ =	shalt  }
0x42: {  	_ =	shalt  }
0x43: {  	_ =	shalt  }
0x44: {  	_ =	shalt  }
0x45: {  	_ =	shalt  }
0x46: {  	_ =	shalt  }
0x47: {  	_ =	shalt  }
0x48: {  	_ =	shalt  }
0x49: {  	_ =	shalt  }
0x4a: {  	_ =	shalt  }
0x4b: {  	_ =	shalt  }
0x4c: {  	_ =	shalt  }
0x4d: {  	_ =	shalt  }
0x4e: {  	_ =	shalt  }
0x4f: {  	_ =	shalt  }
0x50: {  	_ =	shalt  }
0x51: {  	_ =	shalt  }
0x52: {  	_ =	shalt  }
0x53: {  	_ =	shalt  }
0x54: {  	_ =	shalt  }
0x55: {  	_ =	shalt  }
0x56: {  	_ =	shalt  }
0x57: {  	_ =	shalt  }
0x58: {  	_ =	shalt  }
0x59: {  	_ =	shalt  }
0x5a: {  	_ =	shalt  }
0x5b: {  	_ =	shalt  }
0x5c: {  	_ =	shalt  }
0x5d: {  	_ =	shalt  }
0x5e: {  	_ =	shalt  }
0x5f: {  	_ =	shalt  }
0x60: {  	_ =	shalt  }
0x61: {  	_ =	shalt  }
0x62: {  	_ =	shalt  }
0x63: {  	_ =	shalt  }
0x64: {  	_ =	shalt  }
0x65: {  	_ =	shalt  }
0x66: {  	_ =	shalt  }
0x67: {  	_ =	shalt  }
0x68: {  	_ =	shalt  }
0x69: {  	_ =	shalt  }
0x6a: {  	_ =	shalt  }
0x6b: {  	_ =	shalt  }
0x6c: {  	_ =	shalt  }
0x6d: {  	_ =	shalt  }
0x6e: {  	_ =	shalt  }
0x6f: {  	_ =	shalt  }
0x70: {  	_ =	shalt  }
0x71: {  	_ =	shalt  }
0x72: {  	_ =	shalt  }
0x73: {  	_ =	shalt  }
0x74: {  	_ =	shalt  }
0x75: {  	_ =	shalt  }
0x76: {  	_ =	shalt  }
0x77: {  	_ =	shalt  }
0x78: {  	_ =	shalt  }
0x79: {  	_ =	shalt  }
0x7a: {  	_ =	shalt  }
0x7b: {  	_ =	shalt  }
0x7c: {  	_ =	shalt  }
0x7d: {  	_ =	shalt  }
0x7e: {  	_ =	shalt  }
0x7f: {  	_ =	shalt  }
0x80: {  	_ =	shalt  }
0x81: {  	_ =	shalt  }
0x82: {  	_ =	shalt  }
0x83: {  	_ =	shalt  }
0x84: {  	_ =	shalt  }
0x85: {  	_ =	shalt  }
0x86: {  	_ =	shalt  }
0x87: {  	_ =	shalt  }
.Lfunc_end0:
.L_simem_size_0:
called_computation_lowered:
.L_overlay_start_0:
0x88: {  	s0 =	sld [smem:$0x3FD9]  }
0x89: {  	s1 =	sld [smem:$0x3FFE];
	_ =	sdelay $0x3  }
0x8a: {  	s0 =	sadd.s32 s1, s0  }
0x8b: {  	[smem:$0x3FC1] =	sst s0  }
0x8c: {  	_ = 	snop  }
0x8d: {  	s0 =	sld [smem:$0x3FD0];
	(tm) =	ssettm $0x1  }
0x8e: {  	s16 =	sld [smem:$0x3FFB];
	_ =	sdelay $0x3  }
0x8f: {  	_ =	strace s16  }
0x90: {  	s1 =	sld [smem:$0x3FFC];
	_ =	sdelay $0x3  }
0x91: {  	_ =	strace s1  }
0x92: {  	s1 =	sld [smem:$0x3FFD];
	_ =	sdelay $0x3  }
0x93: {  	_ =	strace s1  }
0x94: {  	_ =	strace $0x8FFFFFFF  }
0x95: {  	s17 =	sld [smem:$0x3FDB];
	_ =	sdelay $0x1  }
0x96: {  	s2 =	simm.s32 $_scs_section_size  }
0x97: {  	s3 =	simm.s32 $_size__tile_overlayer_lowered;
	s4 =	simm.s32 $_tile_overlayer_lowered  }
0x98: {  	s20 =	simm.s32 $0x1BFF;
	s19 =	sshll.u32 s4, $0x1;
	s1 =	sadd.s32 s2, s17  }
0x99: {  	s5 =	simm.s32 $0x0;
	s18 =	sshll.u32 s3, $0x1;
	s3 =	sadd.s32 s19, s1  }
0x9a: {  	[timem:s5], [sflag:s20] =	dma.local [hbm:s3], s18  }
0x9b: {  	_ =	swait.ge [sflag:s20], s18  }
0x9c: {  	s2 =	ssub.s32 $0x0, s18;
	[sflag:s20] =	ssyncset.done $0x0  }
0x9d: {  	[sflag:s20] =	ssyncadd.s32 s2;
	_ =	sdelay $0x1  }
0x9e: {  	s21 =	simm.s32 $0x1B8B  }
0x9f: {  	_ =	swait.ge [sflag:s21], $0x1  }
0xa0: {  	[sflag:s21] =	ssyncset.done $0x0  }
0xa1: {  	s23 =	simm.s32 $0x1B8E;
	s22 =	sld [smem:$0x3FFE];
	[sflag:s21] =	ssyncadd.s32 $0xFFFFFFFF  }
0xa2: {  	s24 =	simm.s32 $execute0_lowered;
	[smem:$0x3FD2] =	sst s23  }
0xa3: {  	s3 =	sshll.u32 s24, $0x1;
	_ =	strace $0x80000046;
	[dreg:$0x1] =	wrdreg $0xFFFFFFFF  }
0xa4: {  	s25 =	simm.s32 $_size_execute0_lowered;
	s1 =	sadd.s32 s1, s3;
	[dreg:$0x0] =	wrdreg $0x0  }
0xa5: {  	s3 =	sshll.u32 s25, $0x1;
	[dreg:$0x2] =	wrdreg s1  }
0xa6: {  	[dreg:$0x3] =	wrdreg s3  }
0xa7: {  	[dreg:$0x4] =	wrdreg $0xC0  }
0xa8: {  	_ =	task [dreg:s5], $0x5FFFF  }
0xa9: {  	[dreg:$0x1] =	wrdreg $0xFFFFFFFF  }
0xaa: {  	[dreg:$0x0] =	wrdreg $0x60  }
0xab: {  	[dreg:$0x2] =	wrdreg s22  }
0xac: {  	[dreg:$0x3] =	wrdreg s0  }
0xad: {  	[dreg:$0x4] =	wrdreg $0x9  }
0xae: {  	_ =	task.clear_ibuf [dreg:s5], $0x5FFFF;
	_ =	strace $0x90000046  }
0xaf: {  	s26 =	simm.s32 $0x9;
	_ =	strace $0x80000048  }
0xb0: {  	_ =	swait.ge [sflag:s26], $0x1  }
0xb1: {  	[sflag:s26] =	ssyncadd.s32 $0xFFFFFFFF  }
0xb2: {  	_ =	strace $0x90000048  }
0xb3: {  	_ =	sfence  }
0xb4: {  	s28 =	sld [smem:$0x0];
	_ =	sdelay $0x1  }
0xb5: {  	s29 =	srdreg.scid  }
0xb6: {  	s30 =	sshll.u32 s29, $0xD;
	s31 =	sshrl.u32 s29, $0x2  }
0xb7: {  	s2 =	sand.u32 $0x4000, s30;
	s1 =	sand.u32 $0x1, s29;
	s0 =	sadd.s32 s31, s28  }
0xb8: {  	s1 =	sor.u32 s2, s1;
	s0 =	sshll.u32 s0, $0x11  }
0xb9: {  	s0 =	sor.u32 s0, s1  }
0xba: {  	s0 =	sadd.s32 $0x8F2B, s0  }
0xbb: {  	[sflag:s0] =	ssyncadd.remote.s32 $0x1  }
0xbc: {  	_ =	sfence.sel $0xFFFF  }
0xbd: {  	[dreg:$0x0] =	wrdreg $0xFFFFFFFF;
	(pc) =	sbr.abs _section_cstart, $3  }
0xbe: {  	[dreg:$0x1] =	wrdreg $0xFFFFFFFF  }
0xbf: {  	_ =	task.clear_ibuf [dreg:s5], $0x2FFFF;
	_ =	strace $0x9FFFFFFF  }
0xc0: {  	(tm) =	ssettm $0x7FFFFFFF  }
0xc1: {  	_ =	shalt  }
tec
execute0_lowered:
.L_overlay_start_1:
0x0: {  	(tag) =	ssettag $0x1  }
0x1: {  	s0 =	stileid.u32  }
0x2: {  	s1 =	smin.u32 s0, $0x9  }
0x3: {  	s1 =	sadd.s32 s0, s1  }
0x4: {  	s2 =	simm.s32 $0xA0;
	p0 =	slt.u32 s0, $0x9;
	s1 =	smul.u32 $0x50, s1  }
0x5: {  	s2 =	simm.s32 @!p0 $0x50  }
0x6: {  	s2 =	sadd.s32 s2, s1  }
0x7: {  	s3 =	smin.u32 s2, $0x7D0  }
0x8: {  	s7 =	ssub.s32 s3, s1  }
0x9: {  	p0 =	sgt.s32 s7, $0x0  }
0xa: {  	s7 =	simm.s32 @!p0 $0x0  }
0xb: {  	s4 =	rddreg [dreg:$0x0];
	s31 =	smul.u32 $0xCCCD, s7  }
0xc: {  	s5 =	rddreg [dreg:$0x1]  }
0xd: {  	s6 =	simm.s32 $0x1;
	s10 =	simm.s32 $0x3;
	s8 =	sshrl.u32 s31, $0x16  }
0xe: {  	s13 =	simm.s32 $0x0;
	s12 =	simm.s32 $0x0;
	s9 =	smul.u32 $0x50, s8  }
.Ltmp0:
0xf: {  	s11 =	smov.u32 s1;
	s2 =	rddreg [dreg:$0x2];
	(pc) =	sbr.rel .LBB2_1-.Ltmp0, $4  }
0x10: {  	_ =	strace $0x80000047;
	p0 =	sne.s32 s7, s9;
	s9 =	simm.s32 $0x1  }
0x11: {  	[sflag:s6] =	ssyncpa.u1 $0x0;
	s7 =	simm.s32 $0x2;
	s9 =	simm.s32 @!p0 $0x0  }
0x12: {  	[sflag:s7] =	ssyncpa.u1 $0x0;
	p0 =	por $0x0, $0x0;
	s8 =	sadd.s32 s8, s9  }
0x13: {  	vm0 =	vmmov $0xff;
	vm1 =	vcmask $0x3F20;
	s9 =	sadd.s32 $0xAFE00, s4;
	[sflag:s10] =	ssyncpa.u1 $0x0;
	s10 =	sadd.s32 $0x1, s8  }
.LBB2_6:
0x14: {  	[hbm:s17] =	stream.linear.scatter [tilespmem:s14], [sflag:$0x3], $0x400, $0x38;
	[tilespmem:$0x50A0] =	vst v63  }
.LBB2_7:
0x15: {  	s13 =	sadd.s32 $0x50, s11  }
0x16: {  	s15 =	smov.u32 s1;
	p2 =	slt.s32 s13, s3  }
0x17: {  	s15 =	smov.u32 @p2 s13;
	p2 =	sne.s32 s12, s10  }
.Ltmp1:
0x18: {  	p1 =	slt.u32 s12, $0x2;
	(pc) =	sbr.rel @!p2 .LBB2_8-.Ltmp1, $4  }
0x19: {  	s14 =	simm.s32 @!p1 $0x3  }
0x1a: {  	s16 =	sadd.s32 $0x1, s12;
	_ =	swait.ge @!p1 [sflag:s14], $0x2800  }
0x1b: {  	p0 =	por !p0, !p0;
	s13 =	smov.u32 s11;
	[sflag:s14] =	ssyncset.done @!p1 $0x0  }
0x1c: {  	s12 =	smov.u32 s16;
	s11 =	smov.u32 s15;
	[sflag:s14] =	ssyncadd.s32 @!p1 $0xFFFFD800  }
.LBB2_1:
0x1d: {  	p1 =	sge.u32 s12, s8  }
0x1e: {  	s14 =	sxor.u32 @!p1 $0xFFFFFFFF, s12  }
0x1f: {  	s14 =	sand.u32 @!p1 $0x1, s14  }
0x20: {  	s14 =	smul.u32 @!p1 $0x140, s14  }
0x21: {  	s31 =	sadd.s32 $0xFFFFFFFF, s12;
	s15 =	sshrl.u32 @!p1 s11, $0x3  }
0x22: {  	s16 =	sand.u32 @!p1 $0x7, s11;
	s15 =	sadd.s32 @!p1 s5, s15;
	s14 =	sshrl.u32 @!p1 s14, $0x2  }
0x23: {  	[tilespmem:s14], [sflag:$0x2] =	stream.linear.gather @!p1 [hbm4b:s15+s16], $0x50, $0x38;
	[tilespmem:$0x50A0] =	vst v63  }
0x24: {  	p1 =	sge.u32 s31, s8  }
.Ltmp2:
0x25: {  	_ = 	snop;
	(pc) =	sbr.rel @p1 .LBB2_7-.Ltmp2, $1  }
0x26: {  	_ =	sdelay $0x3  }
0x27: {  	s14 =	simm.s32 $0x1  }
0x28: {  	s14 =	simm.s32 @!p0 $0x0  }
0x29: {  	s15 =	smul.u32 $0x140, s14  }
0x2a: {  	_ =	swait.ge [sflag:s7], $0x50  }
0x2b: {  	[sflag:s7] =	ssyncset.done $0x0;
	s16 =	sshrl.u32 s15, $0x2  }
0x2c: {  	[sflag:s7] =	ssyncadd.s32 $0xFFFFFFB0;
	s15 =	sadd.s32 $0x0, s16  }
0x2d: {  	v0 =	vld.msk [tilespmem:s15+$0x0 ss:$0x1], $0xffff;
	_ =	sdelay $0x4  }
0x2e: {  	vm2 =	veq.s32 v0, $0x80000000;
	v1 =	vand.u32 $0x1, v0;
	v0 =	vshll.u32 v0, $0x7  }
0x2f: {  	v1 =	vsel vm2, $0xFFFFFFFF, v1;
	v0 =	vand.u32 $0x7FFF00, v0  }
0x30: {  	v0 =	vsel vm2, $0xFFFFFF00, v0;
	v2 =	vand.u32 $0xFFFFFF00, v1;
	v1 =	vshll.u32 v1, $0x7  }
0x31: {  	v0 =	vadd.s32 v2, v0;
	v1 =	vand.u32 $0x80, v1  }
0x32: {  	v0 =	vor.u32 v1, v0  }
0x33: {  	v0 =	vshrl.u32 v0, $0x3  }
0x34: {  	s14 =	smul.u32 $0xA000, s14;
	_ =	sdelay $0x1  }
0x35: {  	s14 =	sshrl.u32 s14, $0x2  }
0x36: {  	s14 =	sor.u32 $0xA0, s14  }
0x37: {  	[tilespmem:s14], [sflag:$0x1] =	stream.indirect_vreg.gather [hbm:s4], $0x80, v0, vm0, $0x38;
	[tilespmem:$0x50A0] =	vst v63  }
0x38: {  	s17 =	sadd.s32 $0x10, s16;
	s15 =	sadd.s32 $0x400, s14  }
0x39: {  	[tilespmem:s15], [sflag:$0x1] =	stream.indirect_vreg.gather [hbm:s4], $0x80, v0, vm1, $0x38;
	[tilespmem:$0x50A0] =	vst v63  }
0x3a: {  	s18 =	simm.s32 $0x80;
	v0 =	vld.msk [tilespmem:s17+$0x0 ss:$0x1], $0xffff;
	s17 =	smov.u32 s14  }
.LBB2_3:
0x3b: {  	p1 =	sne.s32 s18, $0x100;
	_ =	sdelay $0x4  }
0x3c: {  	vm2 =	veq.s32 v0, $0x80000000;
	v1 =	vand.u32 $0x1, v0;
	v0 =	vshll.u32 v0, $0x7  }
0x3d: {  	v1 =	vsel vm2, $0xFFFFFFFF, v1;
	v0 =	vand.u32 $0x7FFF00, v0  }
0x3e: {  	v0 =	vsel vm2, $0xFFFFFF00, v0;
	v2 =	vand.u32 $0xFFFFFF00, v1;
	v1 =	vshll.u32 v1, $0x7  }
0x3f: {  	v0 =	vadd.s32 v2, v0;
	v1 =	vand.u32 $0x80, v1  }
0x40: {  	v0 =	vor.u32 v1, v0  }
0x41: {  	v0 =	vshrl.u32 v0, $0x3;
	_ =	sdelay $0x3  }
.Ltmp3:
0x42: {  	s19 =	sshra.s32 s18, $0x2;
	s17 =	sadd.s32 $0x800, s17;
	(pc) =	sbr.rel @p1 .LBB2_3-.Ltmp3, $4  }
0x43: {  	[tilespmem:s17], [sflag:$0x1] =	stream.indirect_vreg.gather [hbm:s4], $0x80, v0, vm0, $0x38;
	[tilespmem:$0x50A0] =	vst v63  }
0x44: {  	s19 =	sadd.s32 s19, s16;
	s20 =	sadd.s32 $0x400, s17  }
0x45: {  	[tilespmem:s20], [sflag:$0x1] =	stream.indirect_vreg.gather [hbm:s4], $0x80, v0, vm1, $0x38;
	[tilespmem:$0x50A0] =	vst v63  }
0x46: {  	s18 =	sadd.s32 $0x40, s18;
	v0 =	vld.msk [tilespmem:s19+$0x0 ss:$0x1], $0xffff  }
0x47: {  	_ =	sdelay $0x3  }
0x48: {  	vm2 =	veq.s32 v0, $0x80000000;
	v1 =	vand.u32 $0x1, v0;
	v63 =	vshll.u32 v0, $0x7  }
0x49: {  	v1 =	vsel vm2, $0xFFFFFFFF, v1;
	v0 =	vand.u32 $0x7FFF00, v63  }
0x4a: {  	v0 =	vsel vm2, $0xFFFFFF00, v0;
	v2 =	vand.u32 $0xFFFFFF00, v1;
	v1 =	vshll.u32 v1, $0x7  }
0x4b: {  	v0 =	vadd.s32 v2, v0;
	v1 =	vand.u32 $0x80, v1  }
0x4c: {  	v0 =	vor.u32 v1, v0  }
0x4d: {  	v0 =	vshrl.u32 v0, $0x3;
	_ =	sdelay $0x3  }
0x4e: {  	s16 =	sadd.s32 $0x800, s17  }
0x4f: {  	[tilespmem:s16], [sflag:$0x1] =	stream.indirect_vreg.gather [hbm:s4], $0x80, v0, vm0, $0x38;
	[tilespmem:$0x50A0] =	vst v63  }
0x50: {  	s16 =	sadd.s32 $0x400, s16  }
0x51: {  	[tilespmem:s16], [sflag:$0x1] =	stream.indirect_vreg.gather [hbm:s4], $0x80, v0, vm1, $0x38;
	[tilespmem:$0x50A0] =	vst v63  }
0x52: {  	s13 =	sshll.u32 s13, $0x4;
	_ =	swait.ge [sflag:s6], $0x2800  }
0x53: {  	s13 =	sadd.s32 s13, s9;
	[sflag:s6] =	ssyncset.done $0x0  }
0x54: {  	s17 =	sadd.s32 $0x0, s13;
	s16 =	simm.s32 $0x80;
	[sflag:s6] =	ssyncadd.s32 $0xFFFFD800  }
.LBB2_5:
0x55: {  	[hbm:s17] =	stream.linear.scatter [tilespmem:s14], [sflag:$0x3], $0x400, $0x38;
	[tilespmem:$0x50A0] =	vst v63  }
0x56: {  	s17 =	smov.u32 s16;
	s14 =	smov.u32 s15;
	p1 =	sne.s32 s16, $0x480  }
.Ltmp4:
0x57: {  	s16 =	sadd.s32 $0x80, s16;
	(pc) =	sbr.rel @p1 .LBB2_5-.Ltmp4, $2  }
0x58: {  	_ =	sdelay $0x2  }
0x59: {  	s15 =	sadd.s32 $0x400, s15;
	s17 =	sadd.s32 s17, s13  }
.Ltmp5:
0x5a: {  	_ = 	snop;
	(pc) =	sbr.rel .LBB2_6-.Ltmp5, $1  }
0x5b: {  	_ =	sdelay $0x3  }
.LBB2_8:
0x5c: {  	_ =	sfence.sel $0x180000  }
0x5d: {  	s1 =	simm.s32 $0x2;
	[bflag:$0x0] =	sbarrier.arrive $0xFFFF  }
0x5e: {  	s30 =	simm.s32 $0x3;
	[sflag:s1] =	ssyncpa.u1 $0x1  }
0x5f: {  	s31 =	simm.s32 $0x1;
	[sflag:s30] =	ssyncpa.u1 $0x1  }
0x60: {  	[sflag:s31] =	ssyncpa.u1 $0x1  }
0x61: {  	p0 =	sne.s32 s0, $0x0;
	_ =	strace $0x90000047  }
0x62: {  	s0 =	sadd.s32 @!p0 $0x100000, s2;
	[bflag:$0x2] =	sbarrier.arrive $0xFFFF  }
0x63: {  	[sflag:s0] =	ssyncadd.tile.s32 @!p0 $0x1;
	_ =	shalt  }
.Lfunc_end2:
_tile_overlayer_lowered:
.L_overlay_start_2:
0x64: {  	(tag) =	ssettag $0x2  }
0x65: {  	s0 =	rddreg [dreg:$0x0];
	s2 =	stileid.u32  }
0x66: {  	s1 =	rddreg [dreg:$0x1];
	p0 =	sne.s32 s2, $0x0  }
0x67: {  	s3 =	rddreg [dreg:$0x2];
	[bflag:$0x3] =	sbarrier.arrive $0xFFFF;
	s2 =	simm.s32 @!p0 $0x1C01  }
0x68: {  	[timem:s3], [sflag:s2] =	dma.local @!p0 [hbm:s0], s1  }
0x69: {  	s0 =	simm.s32 @!p0 $0x1  }
0x6a: {  	_ =	swait.ge @!p0 [sflag:s0], s1  }
0x6b: {  	s1 =	ssub.s32 @!p0 $0x0, s1;
	[sflag:s0] =	ssyncset.done @!p0 $0x0  }
0x6c: {  	[sflag:s0] =	ssyncadd.s32 @!p0 s1  }
0x6d: {  	[bflag:$0x3] =	sbarrier.arrive $0xFFFF  }
0x6e: {  	_ =	shalt  }

</sc_bundles>
